<compile_context>
chip_gen: v7x
topology: tpu7x:2x2x1
jax: 0.10.2.dev20260603
libtpu: 0.0.44.dev20260713+nightly
codegen_flags: <defaults>
</compile_context>

<pallas_src>
import functools

import jax
import jax.numpy as jnp
from jax import lax
from jax.experimental import pallas as pl
from jax.experimental.pallas import tpu as pltpu
from jax.experimental.pallas import tpu_sc as plsc

_NC, _NS = 2, 16
_NW = _NC * _NS
_LAT = 32
_CHUNK = 8000


def _sc_mesh():
    return plsc.VectorSubcoreMesh(core_axis_name="c", subcore_axis_name="s")


def _seg_sum_sc(hn_t, src, dst, w):
    n = hn_t.shape[1]
    e = src.shape[0]
    c = _CHUNK

    @functools.partial(
        pl.kernel,
        out_type=jax.ShapeDtypeStruct((_NW, n), jnp.float32),
        mesh=_sc_mesh(),
        compiler_params=pltpu.CompilerParams(needs_layout_passes=False),
        scratch_types=[
            pltpu.VMEM((n,), jnp.float32),
            pltpu.VMEM((n,), jnp.float32),
            pltpu.VMEM((c,), jnp.int32),
            pltpu.VMEM((c,), jnp.int32),
            pltpu.VMEM((c,), jnp.float32),
        ],
    )
    def k(hn_hbm, src_hbm, dst_hbm, w_hbm, out_hbm, col, acc, sb, db, wb):
        wid = lax.axis_index("s") * _NC + lax.axis_index("c")
        pltpu.sync_copy(hn_hbm.at[wid], col)

        def zero_body(i, carry):
            acc[pl.ds(i * 16, 16)] = jnp.zeros((16,), jnp.float32)
            return carry

        lax.fori_loop(0, n // 16, zero_body, 0)

        def chunk_body(ci, carry):
            off = pl.multiple_of(ci * c, c)
            pltpu.sync_copy(src_hbm.at[pl.ds(off, c)], sb)
            pltpu.sync_copy(dst_hbm.at[pl.ds(off, c)], db)
            pltpu.sync_copy(w_hbm.at[pl.ds(off, c)], wb)

            def inner(i, carry2):
                sv = sb[pl.ds(i * 16, 16)]
                dv = db[pl.ds(i * 16, 16)]
                wv = wb[pl.ds(i * 16, 16)]
                vals = plsc.load_gather(col, [sv]) * wv
                plsc.addupdate_scatter(acc, [dv], vals)
                return carry2

            lax.fori_loop(0, c // 16, inner, 0)
            return carry

        lax.fori_loop(0, e // c, chunk_body, 0)
        pltpu.sync_copy(acc, out_hbm.at[wid])

    return k(hn_t, src, dst, w)


def _deg_counts_sc(dst, n):
    e = dst.shape[0]
    ep = e // _NW

    @functools.partial(
        pl.kernel,
        out_type=jax.ShapeDtypeStruct((_NW, n), jnp.float32),
        mesh=_sc_mesh(),
        compiler_params=pltpu.CompilerParams(needs_layout_passes=False),
        scratch_types=[
            pltpu.VMEM((n,), jnp.float32),
            pltpu.VMEM((ep,), jnp.int32),
        ],
    )
    def k(dst_hbm, out_hbm, acc, db):
        wid = lax.axis_index("s") * _NC + lax.axis_index("c")

        def zero_body(i, carry):
            acc[pl.ds(i * 16, 16)] = jnp.zeros((16,), jnp.float32)
            return carry

        lax.fori_loop(0, n // 16, zero_body, 0)
        pltpu.sync_copy(dst_hbm.at[pl.ds(wid * ep, ep)], db)

        def inner(i, carry):
            dv = db[pl.ds(i * 16, 16)]
            plsc.addupdate_scatter(acc, [dv], jnp.full((16,), 1.0, jnp.float32))
            return carry

        lax.fori_loop(0, ep // 16, inner, 0)
        pltpu.sync_copy(acc, out_hbm.at[wid])

    return k(dst)


def _tc_pre_body(xt, wn, cnt, ew, em, hn_o, inv_o, w_o):
    hn_o[...] = jnp.dot(wn[...], xt[...], preferred_element_type=jnp.float32)
    deg = jnp.sum(cnt[...], axis=0, keepdims=True)
    inv_o[...] = 1.0 / jnp.maximum(deg, 1.0)
    w_o[...] = ew[...] * em[...]


def _tc_layer_body(hp, s, inv, ws, b, wnx, h_o, hn_o):
    h = jnp.tanh(jnp.dot(ws[...], hp[...], preferred_element_type=jnp.float32)
                 + b[...] + s[...] * inv[...])
    h_o[...] = h
    hn_o[...] = jnp.dot(wnx[...], h, preferred_element_type=jnp.float32)


def _tc_last_body(hp, s, inv, ws, b, h1, h2, h3, qm, cs_o):
    h4 = jnp.tanh(jnp.dot(ws[...], hp[...], preferred_element_type=jnp.float32)
                  + b[...] + s[...] * inv[...])
    cs_o[...] = jnp.concatenate([h1[...], h2[...], h3[...], h4], axis=0) * qm[...]


def _tc_head_body(ev, od, w1a, w1b, b1, w2, b2, o):
    z = jnp.maximum(
        jnp.dot(w1a[...], ev[...], preferred_element_type=jnp.float32)
        + jnp.dot(w1b[...], od[...], preferred_element_type=jnp.float32)
        + b1[...], 0.0)
    o[...] = jax.nn.sigmoid(jnp.dot(w2[...], z, preferred_element_type=jnp.float32)
                            + b2[...])


def _f32(shape):
    return jax.ShapeDtypeStruct(shape, jnp.float32)


def kernel(x, nlabel, edge_index, edge_weight, edge_mask,
           W_self_0, b_self_0, W_neigh_0, b_neigh_0,
           W_self_1, b_self_1, W_neigh_1, b_neigh_1,
           W_self_2, b_self_2, W_neigh_2, b_neigh_2,
           W_self_3, b_self_3, W_neigh_3, b_neigh_3,
           W_lin1, b_lin1, W_lin2, b_lin2):
    n = x.shape[0]
    e = edge_index.shape[1]
    src = edge_index[0]
    dst = edge_index[1]
    x_t = x.T
    ew_t = edge_weight.reshape(_NW, e // _NW)
    em_t = edge_mask.reshape(_NW, e // _NW)

    counts = _deg_counts_sc(dst, n)

    hn, invdeg, w_t = pl.pallas_call(
        _tc_pre_body,
        out_shape=[_f32((_LAT, n)), _f32((1, n)), _f32((_NW, e // _NW))],
    )(x_t, W_neigh_0, counts, ew_t, em_t)
    w = w_t.reshape(e)

    ws_list = [W_self_0, W_self_1, W_self_2, W_self_3]
    wn_next = [W_neigh_1, W_neigh_2, W_neigh_3]
    bsum = [(bs + bn).reshape(_LAT, 1) for bs, bn in
            [(b_self_0, b_neigh_0), (b_self_1, b_neigh_1),
             (b_self_2, b_neigh_2), (b_self_3, b_neigh_3)]]

    states = []
    hprev = x_t
    for l in range(3):
        s = _seg_sum_sc(hn, src, dst, w)
        hprev, hn = pl.pallas_call(
            _tc_layer_body,
            out_shape=[_f32((_LAT, n)), _f32((_LAT, n))],
        )(hprev, s, invdeg, ws_list[l], bsum[l], wn_next[l])
        states.append(hprev)

    s3 = _seg_sum_sc(hn, src, dst, w)
    qm = (nlabel[:, 0] == 1).astype(jnp.float32).reshape(1, n)
    cs = pl.pallas_call(
        _tc_last_body,
        out_shape=_f32((4 * _LAT, n)),
    )(hprev, s3, invdeg, ws_list[3], bsum[3], states[0], states[1], states[2], qm)

    csr = cs.reshape(4 * _LAT, n // 2, 2)
    even = csr[:, :, 0]
    odd = csr[:, :, 1]
    out = pl.pallas_call(
        _tc_head_body,
        out_shape=_f32((1, n // 2)),
    )(even, odd, W_lin1[:, :4 * _LAT], W_lin1[:, 4 * _LAT:],
      b_lin1.reshape(-1, 1), W_lin2, b_lin2.reshape(1, 1))
    return out.reshape(n // 2, 1)

# --- scband reference (transcript-rebuilt; emitter-appended) ---
"""Pipeline reference for scband-igmc-13623636263498 (READ-ONLY COPY).

The authoritative reference and input builder live on the scoring server;
editing this copy changes nothing except your own understanding.
"""

import jax, jax.numpy as jnp
import numpy as np

N = 10000
E = 320000
D_IN = 128
LAT = [32, 32, 32, 32]
HID = 128

def _glorot(key, out_f, in_f):
    # xavier_uniform with gain = calculate_gain('relu') = sqrt(2)
    limit = np.sqrt(2.0) * np.sqrt(6.0 / (in_f + out_f))
    return jax.random.uniform(key, (out_f, in_f), jnp.float32, -limit, limit)

def setup_inputs(seed: int = 0):
    key = jax.random.key(seed)
    ks = jax.random.split(key, 32)
    inp = {}
    inp['x'] = jax.random.normal(ks[0], (N, D_IN), jnp.float32)
    # nlabel[:,0]==1 for all nodes -> every node is a query node (N is even)
    inp['nlabel'] = jnp.ones((N, 2), jnp.int32)
    inp['edge_index'] = jax.random.randint(ks[1], (2, E), 0, N, dtype=jnp.int32)
    inp['edge_weight'] = jax.random.uniform(ks[2], (E, 1), jnp.float32)
    inp['edge_mask'] = jnp.ones((E, 1), jnp.float32)
    dims = [D_IN] + LAT
    for i in range(4):
        inp['W_self_%d' % i] = _glorot(ks[3 + 4 * i], dims[i + 1], dims[i])
        inp['b_self_%d' % i] = jnp.zeros((dims[i + 1],), jnp.float32)
        inp['W_neigh_%d' % i] = _glorot(ks[4 + 4 * i], dims[i + 1], dims[i])
        inp['b_neigh_%d' % i] = jnp.zeros((dims[i + 1],), jnp.float32)
    inp['W_lin1'] = _glorot(ks[20], HID, 2 * sum(LAT))
    inp['b_lin1'] = jnp.zeros((HID,), jnp.float32)
    inp['W_lin2'] = _glorot(ks[21], 1, HID)
    inp['b_lin2'] = jnp.zeros((1,), jnp.float32)
    return inp

def reference(x, nlabel, edge_index, edge_weight, edge_mask,
              W_self_0, b_self_0, W_neigh_0, b_neigh_0,
              W_self_1, b_self_1, W_neigh_1, b_neigh_1,
              W_self_2, b_self_2, W_neigh_2, b_neigh_2,
              W_self_3, b_self_3, W_neigh_3, b_neigh_3,
              W_lin1, b_lin1, W_lin2, b_lin2):
    src = edge_index[0]
    dst = edge_index[1]
    n = x.shape[0]
    deg = jax.ops.segment_sum(jnp.ones((src.shape[0],), jnp.float32), dst, num_segments=n)
    deg = jnp.clip(deg, 1.0, None)[:, None]
    convs = [(W_self_0, b_self_0, W_neigh_0, b_neigh_0),
             (W_self_1, b_self_1, W_neigh_1, b_neigh_1),
             (W_self_2, b_self_2, W_neigh_2, b_neigh_2),
             (W_self_3, b_self_3, W_neigh_3, b_neigh_3)]
    h = x
    states = []
    for (Ws, bs, Wn, bn) in convs:
        # message: src feature * edge_weight * edge_mask, mean-reduced onto dst
        msg = h[src] * edge_weight * edge_mask
        neigh = jax.ops.segment_sum(msg, dst, num_segments=n) / deg
        h = jnp.tanh(h @ Ws.T + bs + neigh @ Wn.T + bn)
        states.append(h)
    cs = jnp.concatenate(states, axis=1)
    query = nlabel[:, 0] == 1
    qf = jnp.where(query[:, None], cs, 0.0).reshape(-1, 2, cs.shape[-1])
    z = jnp.concatenate([qf[:, 0, :], qf[:, 1, :]], axis=1)
    z = jax.nn.relu(z @ W_lin1.T + b_lin1)
    # dropout p=0.5 is inference no-op (training=False)
    z = z @ W_lin2.T + b_lin2
    return jax.nn.sigmoid(z)

if __name__ == "__main__":
    import jax
    _d = setup_inputs()
    print(jax.jit(kernel)(*tuple(_d.values())))

</pallas_src>

<mosaic_0001>
#map = affine_map<(d0, d1) -> (0, 0)>
#map1 = affine_map<(d0, d1) -> (0)>
module attributes {stable_mosaic.version = 14 : i64} {
  func.func @k(%arg0: i32, %arg1: i32, %arg2: memref<32x10000xf32, #tpu.memory_space<hbm>>, %arg3: memref<320000xi32, #tpu.memory_space<hbm>>, %arg4: memref<320000xi32, #tpu.memory_space<hbm>>, %arg5: memref<320000xf32, #tpu.memory_space<hbm>>, %arg6: memref<32x10000xf32, #tpu.memory_space<hbm>>, %arg7: memref<10000xf32, #tpu.memory_space<vmem>>, %arg8: memref<10000xf32, #tpu.memory_space<vmem>>, %arg9: memref<8000xi32, #tpu.memory_space<vmem>>, %arg10: memref<8000xi32, #tpu.memory_space<vmem>>, %arg11: memref<8000xf32, #tpu.memory_space<vmem>>) attributes {dimension_semantics = [#tpu.dimension_semantics<core_parallel>, #tpu.dimension_semantics<subcore_parallel>], iteration_bounds = array<i64: 2, 16>, scalar_prefetch = 0 : i64, scratch_operands = 5 : i64, tpu.core_type = #tpu.core_type<sc_vector_subcore>, window_params = [{transform_indices = #map}, {transform_indices = #map1}, {transform_indices = #map1}, {transform_indices = #map1}, {transform_indices = #map}]} {
    %mul3A = arith.constant 2 : i32
    %mul3A_0 = arith.muli %arg1, %mul3A : i32
    %add3A = arith.addi %mul3A_0, %arg0 : i32
    "tpu.region"() ({
      %run_scoped3A = tpu.sem_alloc : memref<!tpu.dma_semaphore, #tpu.memory_space<semaphore_mem>>
      %dma_start3A = arith.constant 0 : i32
      %dma_start3A_12 = tpu.memref_slice %arg2[%add3A, %dma_start3A] : memref<32x10000xf32, #tpu.memory_space<hbm>> -> memref<1x10000xf32, #tpu.memory_space<hbm>>
      %dma_start3A_13 = tpu.memref_squeeze %dma_start3A_12 : memref<1x10000xf32, #tpu.memory_space<hbm>> -> memref<10000xf32, #tpu.memory_space<hbm>>
      %dma_start3A_14 = arith.constant 0 : i32
      %dma_start3A_15 = tpu.memref_slice %arg2[%add3A, %dma_start3A_14] : memref<32x10000xf32, #tpu.memory_space<hbm>> -> memref<1x10000xf32, #tpu.memory_space<hbm>>
      %dma_start3A_16 = tpu.memref_squeeze %dma_start3A_15 : memref<1x10000xf32, #tpu.memory_space<hbm>> -> memref<10000xf32, #tpu.memory_space<hbm>>
      tpu.enqueue_dma source(%dma_start3A_16 : memref<10000xf32, #tpu.memory_space<hbm>>) target(%arg7 : memref<10000xf32, #tpu.memory_space<vmem>>) target_semaphore(%run_scoped3A : memref<!tpu.dma_semaphore, #tpu.memory_space<semaphore_mem>>)
      %dma_wait3A = arith.constant 0 : i32
      %dma_wait3A_17 = tpu.memref_slice %arg2[%add3A, %dma_wait3A] : memref<32x10000xf32, #tpu.memory_space<hbm>> -> memref<1x10000xf32, #tpu.memory_space<hbm>>
      %dma_wait3A_18 = tpu.memref_squeeze %dma_wait3A_17 : memref<1x10000xf32, #tpu.memory_space<hbm>> -> memref<10000xf32, #tpu.memory_space<hbm>>
      %dma_wait3A_19 = arith.constant 0 : i32
      %dma_wait3A_20 = tpu.memref_slice %arg2[%add3A, %dma_wait3A_19] : memref<32x10000xf32, #tpu.memory_space<hbm>> -> memref<1x10000xf32, #tpu.memory_space<hbm>>
      %dma_wait3A_21 = tpu.memref_squeeze %dma_wait3A_20 : memref<1x10000xf32, #tpu.memory_space<hbm>> -> memref<10000xf32, #tpu.memory_space<hbm>>
      tpu.wait_dma2 semaphore(%run_scoped3A : memref<!tpu.dma_semaphore, #tpu.memory_space<semaphore_mem>>) src(%dma_wait3A_21 : memref<10000xf32, #tpu.memory_space<hbm>>) dst(%arg7 : memref<10000xf32, #tpu.memory_space<vmem>>)
      tpu.yield
    }) : () -> ()
    %scan3A = arith.constant 0 : i32
    %scan3A_1 = arith.constant 0 : i32
    %scan3A_2 = arith.constant 625 : i32
    %scan3A_3 = arith.addi %scan3A_1, %scan3A_2 : i32
    %scan3A_4 = arith.constant 1 : i32
    scf.for %scan3A_12 = %scan3A_1 to %scan3A_3 step %scan3A_4  : i32 {
      %broadcast_in_dim3A = arith.constant 0.000000e+00 : f32
      %broadcast_in_dim3A_13 = vector.broadcast %broadcast_in_dim3A : f32 to vector<16xf32>
      %mul3A_14 = arith.constant 16 : i32
      %mul3A_15 = arith.muli %scan3A_12, %mul3A_14 : i32
      %swap3A = arith.index_cast %mul3A_15 : i32 to index
      %swap3A_16 = tpu.vector_load %arg8[%swap3A] {strides = array<i32>} : memref<10000xf32, #tpu.memory_space<vmem>>, vector<16xf32>,
      tpu.vector_store %arg8[%swap3A], %broadcast_in_dim3A_13 {strides = array<i32>} : memref<10000xf32, #tpu.memory_space<vmem>>, vector<16xf32>,
    }
    %scan3A_5 = arith.constant 625 : i32
    %scan3A_6 = arith.constant 0 : i32
    %scan3A_7 = arith.constant 0 : i32
    %scan3A_8 = arith.constant 40 : i32
    %scan3A_9 = arith.addi %scan3A_7, %scan3A_8 : i32
    %scan3A_10 = arith.constant 1 : i32
    scf.for %scan3A_12 = %scan3A_7 to %scan3A_9 step %scan3A_10  : i32 {
      %mul3A_13 = arith.constant 8000 : i32
      %mul3A_14 = arith.muli %scan3A_12, %mul3A_13 : i32
      %multiple_of3A = tpu.assume_multiple %mul3A_14, 8000 : i32
      "tpu.region"() ({
        %run_scoped3A = tpu.sem_alloc : memref<!tpu.dma_semaphore, #tpu.memory_space<semaphore_mem>>
        %dma_start3A = tpu.memref_slice %arg3[%multiple_of3A] : memref<320000xi32, #tpu.memory_space<hbm>> -> memref<8000xi32, #tpu.memory_space<hbm>>
        %dma_start3A_21 = tpu.memref_slice %arg3[%multiple_of3A] : memref<320000xi32, #tpu.memory_space<hbm>> -> memref<8000xi32, #tpu.memory_space<hbm>>
        tpu.enqueue_dma source(%dma_start3A_21 : memref<8000xi32, #tpu.memory_space<hbm>>) target(%arg9 : memref<8000xi32, #tpu.memory_space<vmem>>) target_semaphore(%run_scoped3A : memref<!tpu.dma_semaphore, #tpu.memory_space<semaphore_mem>>)
        %dma_wait3A = tpu.memref_slice %arg3[%multiple_of3A] : memref<320000xi32, #tpu.memory_space<hbm>> -> memref<8000xi32, #tpu.memory_space<hbm>>
        %dma_wait3A_22 = tpu.memref_slice %arg3[%multiple_of3A] : memref<320000xi32, #tpu.memory_space<hbm>> -> memref<8000xi32, #tpu.memory_space<hbm>>
        tpu.wait_dma2 semaphore(%run_scoped3A : memref<!tpu.dma_semaphore, #tpu.memory_space<semaphore_mem>>) src(%dma_wait3A_22 : memref<8000xi32, #tpu.memory_space<hbm>>) dst(%arg9 : memref<8000xi32, #tpu.memory_space<vmem>>)
        tpu.yield
      }) : () -> ()
      "tpu.region"() ({
        %run_scoped3A = tpu.sem_alloc : memref<!tpu.dma_semaphore, #tpu.memory_space<semaphore_mem>>
        %dma_start3A = tpu.memref_slice %arg4[%multiple_of3A] : memref<320000xi32, #tpu.memory_space<hbm>> -> memref<8000xi32, #tpu.memory_space<hbm>>
        %dma_start3A_21 = tpu.memref_slice %arg4[%multiple_of3A] : memref<320000xi32, #tpu.memory_space<hbm>> -> memref<8000xi32, #tpu.memory_space<hbm>>
        tpu.enqueue_dma source(%dma_start3A_21 : memref<8000xi32, #tpu.memory_space<hbm>>) target(%arg10 : memref<8000xi32, #tpu.memory_space<vmem>>) target_semaphore(%run_scoped3A : memref<!tpu.dma_semaphore, #tpu.memory_space<semaphore_mem>>)
        %dma_wait3A = tpu.memref_slice %arg4[%multiple_of3A] : memref<320000xi32, #tpu.memory_space<hbm>> -> memref<8000xi32, #tpu.memory_space<hbm>>
        %dma_wait3A_22 = tpu.memref_slice %arg4[%multiple_of3A] : memref<320000xi32, #tpu.memory_space<hbm>> -> memref<8000xi32, #tpu.memory_space<hbm>>
        tpu.wait_dma2 semaphore(%run_scoped3A : memref<!tpu.dma_semaphore, #tpu.memory_space<semaphore_mem>>) src(%dma_wait3A_22 : memref<8000xi32, #tpu.memory_space<hbm>>) dst(%arg10 : memref<8000xi32, #tpu.memory_space<vmem>>)
        tpu.yield
      }) : () -> ()
      "tpu.region"() ({
        %run_scoped3A = tpu.sem_alloc : memref<!tpu.dma_semaphore, #tpu.memory_space<semaphore_mem>>
        %dma_start3A = tpu.memref_slice %arg5[%multiple_of3A] : memref<320000xf32, #tpu.memory_space<hbm>> -> memref<8000xf32, #tpu.memory_space<hbm>>
        %dma_start3A_21 = tpu.memref_slice %arg5[%multiple_of3A] : memref<320000xf32, #tpu.memory_space<hbm>> -> memref<8000xf32, #tpu.memory_space<hbm>>
        tpu.enqueue_dma source(%dma_start3A_21 : memref<8000xf32, #tpu.memory_space<hbm>>) target(%arg11 : memref<8000xf32, #tpu.memory_space<vmem>>) target_semaphore(%run_scoped3A : memref<!tpu.dma_semaphore, #tpu.memory_space<semaphore_mem>>)
        %dma_wait3A = tpu.memref_slice %arg5[%multiple_of3A] : memref<320000xf32, #tpu.memory_space<hbm>> -> memref<8000xf32, #tpu.memory_space<hbm>>
        %dma_wait3A_22 = tpu.memref_slice %arg5[%multiple_of3A] : memref<320000xf32, #tpu.memory_space<hbm>> -> memref<8000xf32, #tpu.memory_space<hbm>>
        tpu.wait_dma2 semaphore(%run_scoped3A : memref<!tpu.dma_semaphore, #tpu.memory_space<semaphore_mem>>) src(%dma_wait3A_22 : memref<8000xf32, #tpu.memory_space<hbm>>) dst(%arg11 : memref<8000xf32, #tpu.memory_space<vmem>>)
        tpu.yield
      }) : () -> ()
      %scan3A_15 = arith.constant 0 : i32
      %scan3A_16 = arith.constant 0 : i32
      %scan3A_17 = arith.constant 500 : i32
      %scan3A_18 = arith.addi %scan3A_16, %scan3A_17 : i32
      %scan3A_19 = arith.constant 1 : i32
      scf.for %scan3A_21 = %scan3A_16 to %scan3A_18 step %scan3A_19  : i32 {
        %mul3A_22 = arith.constant 16 : i32
        %mul3A_23 = arith.muli %scan3A_21, %mul3A_22 : i32
        %get3A = arith.index_cast %mul3A_23 : i32 to index
        %get3A_24 = tpu.vector_load %arg9[%get3A] {strides = array<i32>} : memref<8000xi32, #tpu.memory_space<vmem>>, vector<16xi32>,
        %mul3A_25 = arith.constant 16 : i32
        %mul3A_26 = arith.muli %scan3A_21, %mul3A_25 : i32
        %get3A_27 = arith.index_cast %mul3A_26 : i32 to index
        %get3A_28 = tpu.vector_load %arg10[%get3A_27] {strides = array<i32>} : memref<8000xi32, #tpu.memory_space<vmem>>, vector<16xi32>,
        %mul3A_29 = arith.constant 16 : i32
        %mul3A_30 = arith.muli %scan3A_21, %mul3A_29 : i32
        %get3A_31 = arith.index_cast %mul3A_30 : i32 to index
        %get3A_32 = tpu.vector_load %arg11[%get3A_31] {strides = array<i32>} : memref<8000xf32, #tpu.memory_space<vmem>>, vector<16xf32>,
        %gather3A = tpu.vector_load_idx %arg7[%get3A_24] : memref<10000xf32, #tpu.memory_space<vmem>>[vector<16xi32>], vector<16xf32>,
        %mul3A_33 = arith.mulf %gather3A, %get3A_32 : vector<16xf32>
        tpu.vector_store_idx %arg8[%get3A_28], %mul3A_33 {add = true} : memref<10000xf32, #tpu.memory_space<vmem>>[vector<16xi32>], vector<16xf32>,
      }
      %scan3A_20 = arith.constant 500 : i32
    }
    %scan3A_11 = arith.constant 40 : i32
    "tpu.region"() ({
      %run_scoped3A = tpu.sem_alloc : memref<!tpu.dma_semaphore, #tpu.memory_space<semaphore_mem>>
      %dma_start3A = arith.constant 0 : i32
      %dma_start3A_12 = tpu.memref_slice %arg6[%add3A, %dma_start3A] : memref<32x10000xf32, #tpu.memory_space<hbm>> -> memref<1x10000xf32, #tpu.memory_space<hbm>>
      %dma_start3A_13 = tpu.memref_squeeze %dma_start3A_12 : memref<1x10000xf32, #tpu.memory_space<hbm>> -> memref<10000xf32, #tpu.memory_space<hbm>>
      %dma_start3A_14 = arith.constant 0 : i32
      %dma_start3A_15 = tpu.memref_slice %arg6[%add3A, %dma_start3A_14] : memref<32x10000xf32, #tpu.memory_space<hbm>> -> memref<1x10000xf32, #tpu.memory_space<hbm>>
      %dma_start3A_16 = tpu.memref_squeeze %dma_start3A_15 : memref<1x10000xf32, #tpu.memory_space<hbm>> -> memref<10000xf32, #tpu.memory_space<hbm>>
      tpu.enqueue_dma source(%arg8 : memref<10000xf32, #tpu.memory_space<vmem>>) target(%dma_start3A_16 : memref<10000xf32, #tpu.memory_space<hbm>>) target_semaphore(%run_scoped3A : memref<!tpu.dma_semaphore, #tpu.memory_space<semaphore_mem>>)
      %dma_wait3A = arith.constant 0 : i32
      %dma_wait3A_17 = tpu.memref_slice %arg6[%add3A, %dma_wait3A] : memref<32x10000xf32, #tpu.memory_space<hbm>> -> memref<1x10000xf32, #tpu.memory_space<hbm>>
      %dma_wait3A_18 = tpu.memref_squeeze %dma_wait3A_17 : memref<1x10000xf32, #tpu.memory_space<hbm>> -> memref<10000xf32, #tpu.memory_space<hbm>>
      %dma_wait3A_19 = arith.constant 0 : i32
      %dma_wait3A_20 = tpu.memref_slice %arg6[%add3A, %dma_wait3A_19] : memref<32x10000xf32, #tpu.memory_space<hbm>> -> memref<1x10000xf32, #tpu.memory_space<hbm>>
      %dma_wait3A_21 = tpu.memref_squeeze %dma_wait3A_20 : memref<1x10000xf32, #tpu.memory_space<hbm>> -> memref<10000xf32, #tpu.memory_space<hbm>>
      tpu.wait_dma2 semaphore(%run_scoped3A : memref<!tpu.dma_semaphore, #tpu.memory_space<semaphore_mem>>) src(%arg8 : memref<10000xf32, #tpu.memory_space<vmem>>) dst(%dma_wait3A_21 : memref<10000xf32, #tpu.memory_space<hbm>>)
      tpu.yield
    }) : () -> ()
    return
  }
}

#map = affine_map<(d0, d1) -> (0)>
#map1 = affine_map<(d0, d1) -> (0, 0)>
module attributes {stable_mosaic.version = 14 : i64} {
  func.func @k(%arg0: i32, %arg1: i32, %arg2: memref<320000xi32, #tpu.memory_space<hbm>>, %arg3: memref<32x10000xf32, #tpu.memory_space<hbm>>, %arg4: memref<10000xf32, #tpu.memory_space<vmem>>, %arg5: memref<10000xi32, #tpu.memory_space<vmem>>) attributes {dimension_semantics = [#tpu.dimension_semantics<core_parallel>, #tpu.dimension_semantics<subcore_parallel>], iteration_bounds = array<i64: 2, 16>, scalar_prefetch = 0 : i64, scratch_operands = 2 : i64, tpu.core_type = #tpu.core_type<sc_vector_subcore>, window_params = [{transform_indices = #map}, {transform_indices = #map1}]} {
    %mul3A = arith.constant 2 : i32
    %mul3A_0 = arith.muli %arg1, %mul3A : i32
    %add3A = arith.addi %mul3A_0, %arg0 : i32
    %scan3A = arith.constant 0 : i32
    %scan3A_1 = arith.constant 0 : i32
    %scan3A_2 = arith.constant 625 : i32
    %scan3A_3 = arith.addi %scan3A_1, %scan3A_2 : i32
    %scan3A_4 = arith.constant 1 : i32
    scf.for %scan3A_14 = %scan3A_1 to %scan3A_3 step %scan3A_4  : i32 {
      %broadcast_in_dim3A = arith.constant 0.000000e+00 : f32
      %broadcast_in_dim3A_15 = vector.broadcast %broadcast_in_dim3A : f32 to vector<16xf32>
      %mul3A_16 = arith.constant 16 : i32
      %mul3A_17 = arith.muli %scan3A_14, %mul3A_16 : i32
      %swap3A = arith.index_cast %mul3A_17 : i32 to index
      %swap3A_18 = tpu.vector_load %arg4[%swap3A] {strides = array<i32>} : memref<10000xf32, #tpu.memory_space<vmem>>, vector<16xf32>,
      tpu.vector_store %arg4[%swap3A], %broadcast_in_dim3A_15 {strides = array<i32>} : memref<10000xf32, #tpu.memory_space<vmem>>, vector<16xf32>,
    }
    %scan3A_5 = arith.constant 625 : i32
    %mul3A_6 = arith.constant 10000 : i32
    %mul3A_7 = arith.muli %add3A, %mul3A_6 : i32
    "tpu.region"() ({
      %run_scoped3A = tpu.sem_alloc : memref<!tpu.dma_semaphore, #tpu.memory_space<semaphore_mem>>
      %dma_start3A = tpu.memref_slice %arg2[%mul3A_7] : memref<320000xi32, #tpu.memory_space<hbm>> -> memref<10000xi32, #tpu.memory_space<hbm>>
      %dma_start3A_14 = tpu.memref_slice %arg2[%mul3A_7] : memref<320000xi32, #tpu.memory_space<hbm>> -> memref<10000xi32, #tpu.memory_space<hbm>>
      tpu.enqueue_dma source(%dma_start3A_14 : memref<10000xi32, #tpu.memory_space<hbm>>) target(%arg5 : memref<10000xi32, #tpu.memory_space<vmem>>) target_semaphore(%run_scoped3A : memref<!tpu.dma_semaphore, #tpu.memory_space<semaphore_mem>>)
      %dma_wait3A = tpu.memref_slice %arg2[%mul3A_7] : memref<320000xi32, #tpu.memory_space<hbm>> -> memref<10000xi32, #tpu.memory_space<hbm>>
      %dma_wait3A_15 = tpu.memref_slice %arg2[%mul3A_7] : memref<320000xi32, #tpu.memory_space<hbm>> -> memref<10000xi32, #tpu.memory_space<hbm>>
      tpu.wait_dma2 semaphore(%run_scoped3A : memref<!tpu.dma_semaphore, #tpu.memory_space<semaphore_mem>>) src(%dma_wait3A_15 : memref<10000xi32, #tpu.memory_space<hbm>>) dst(%arg5 : memref<10000xi32, #tpu.memory_space<vmem>>)
      tpu.yield
    }) : () -> ()
    %scan3A_8 = arith.constant 0 : i32
    %scan3A_9 = arith.constant 0 : i32
    %scan3A_10 = arith.constant 625 : i32
    %scan3A_11 = arith.addi %scan3A_9, %scan3A_10 : i32
    %scan3A_12 = arith.constant 1 : i32
    scf.for %scan3A_14 = %scan3A_9 to %scan3A_11 step %scan3A_12  : i32 {
      %mul3A_15 = arith.constant 16 : i32
      %mul3A_16 = arith.muli %scan3A_14, %mul3A_15 : i32
      %get3A = arith.index_cast %mul3A_16 : i32 to index
      %get3A_17 = tpu.vector_load %arg5[%get3A] {strides = array<i32>} : memref<10000xi32, #tpu.memory_space<vmem>>, vector<16xi32>,
      %broadcast_in_dim3A = arith.constant 1.000000e+00 : f32
      %broadcast_in_dim3A_18 = vector.broadcast %broadcast_in_dim3A : f32 to vector<16xf32>
      tpu.vector_store_idx %arg4[%get3A_17], %broadcast_in_dim3A_18 {add = true} : memref<10000xf32, #tpu.memory_space<vmem>>[vector<16xi32>], vector<16xf32>,
    }
    %scan3A_13 = arith.constant 625 : i32
    "tpu.region"() ({
      %run_scoped3A = tpu.sem_alloc : memref<!tpu.dma_semaphore, #tpu.memory_space<semaphore_mem>>
      %dma_start3A = arith.constant 0 : i32
      %dma_start3A_14 = tpu.memref_slice %arg3[%add3A, %dma_start3A] : memref<32x10000xf32, #tpu.memory_space<hbm>> -> memref<1x10000xf32, #tpu.memory_space<hbm>>
      %dma_start3A_15 = tpu.memref_squeeze %dma_start3A_14 : memref<1x10000xf32, #tpu.memory_space<hbm>> -> memref<10000xf32, #tpu.memory_space<hbm>>
      %dma_start3A_16 = arith.constant 0 : i32
      %dma_start3A_17 = tpu.memref_slice %arg3[%add3A, %dma_start3A_16] : memref<32x10000xf32, #tpu.memory_space<hbm>> -> memref<1x10000xf32, #tpu.memory_space<hbm>>
      %dma_start3A_18 = tpu.memref_squeeze %dma_start3A_17 : memref<1x10000xf32, #tpu.memory_space<hbm>> -> memref<10000xf32, #tpu.memory_space<hbm>>
      tpu.enqueue_dma source(%arg4 : memref<10000xf32, #tpu.memory_space<vmem>>) target(%dma_start3A_18 : memref<10000xf32, #tpu.memory_space<hbm>>) target_semaphore(%run_scoped3A : memref<!tpu.dma_semaphore, #tpu.memory_space<semaphore_mem>>)
      %dma_wait3A = arith.constant 0 : i32
      %dma_wait3A_19 = tpu.memref_slice %arg3[%add3A, %dma_wait3A] : memref<32x10000xf32, #tpu.memory_space<hbm>> -> memref<1x10000xf32, #tpu.memory_space<hbm>>
      %dma_wait3A_20 = tpu.memref_squeeze %dma_wait3A_19 : memref<1x10000xf32, #tpu.memory_space<hbm>> -> memref<10000xf32, #tpu.memory_space<hbm>>
      %dma_wait3A_21 = arith.constant 0 : i32
      %dma_wait3A_22 = tpu.memref_slice %arg3[%add3A, %dma_wait3A_21] : memref<32x10000xf32, #tpu.memory_space<hbm>> -> memref<1x10000xf32, #tpu.memory_space<hbm>>
      %dma_wait3A_23 = tpu.memref_squeeze %dma_wait3A_22 : memref<1x10000xf32, #tpu.memory_space<hbm>> -> memref<10000xf32, #tpu.memory_space<hbm>>
      tpu.wait_dma2 semaphore(%run_scoped3A : memref<!tpu.dma_semaphore, #tpu.memory_space<semaphore_mem>>) src(%arg4 : memref<10000xf32, #tpu.memory_space<vmem>>) dst(%dma_wait3A_23 : memref<10000xf32, #tpu.memory_space<hbm>>)
      tpu.yield
    }) : () -> ()
    return
  }
}

#map = affine_map<(d0, d1) -> (0, 0)>
#map1 = affine_map<(d0, d1) -> (0)>
module attributes {stable_mosaic.version = 14 : i64} {
  func.func @k(%arg0: i32, %arg1: i32, %arg2: memref<32x10000xf32, #tpu.memory_space<hbm>>, %arg3: memref<320000xi32, #tpu.memory_space<hbm>>, %arg4: memref<320000xi32, #tpu.memory_space<hbm>>, %arg5: memref<320000xf32, #tpu.memory_space<hbm>>, %arg6: memref<32x10000xf32, #tpu.memory_space<hbm>>, %arg7: memref<10000xf32, #tpu.memory_space<vmem>>, %arg8: memref<10000xf32, #tpu.memory_space<vmem>>, %arg9: memref<8000xi32, #tpu.memory_space<vmem>>, %arg10: memref<8000xi32, #tpu.memory_space<vmem>>, %arg11: memref<8000xf32, #tpu.memory_space<vmem>>) attributes {dimension_semantics = [#tpu.dimension_semantics<core_parallel>, #tpu.dimension_semantics<subcore_parallel>], iteration_bounds = array<i64: 2, 16>, scalar_prefetch = 0 : i64, scratch_operands = 5 : i64, tpu.core_type = #tpu.core_type<sc_vector_subcore>, window_params = [{transform_indices = #map}, {transform_indices = #map1}, {transform_indices = #map1}, {transform_indices = #map1}, {transform_indices = #map}]} {
    %mul3A = arith.constant 2 : i32
    %mul3A_0 = arith.muli %arg1, %mul3A : i32
    %add3A = arith.addi %mul3A_0, %arg0 : i32
    "tpu.region"() ({
      %run_scoped3A = tpu.sem_alloc : memref<!tpu.dma_semaphore, #tpu.memory_space<semaphore_mem>>
      %dma_start3A = arith.constant 0 : i32
      %dma_start3A_12 = tpu.memref_slice %arg2[%add3A, %dma_start3A] : memref<32x10000xf32, #tpu.memory_space<hbm>> -> memref<1x10000xf32, #tpu.memory_space<hbm>>
      %dma_start3A_13 = tpu.memref_squeeze %dma_start3A_12 : memref<1x10000xf32, #tpu.memory_space<hbm>> -> memref<10000xf32, #tpu.memory_space<hbm>>
      %dma_start3A_14 = arith.constant 0 : i32
      %dma_start3A_15 = tpu.memref_slice %arg2[%add3A, %dma_start3A_14] : memref<32x10000xf32, #tpu.memory_space<hbm>> -> memref<1x10000xf32, #tpu.memory_space<hbm>>
      %dma_start3A_16 = tpu.memref_squeeze %dma_start3A_15 : memref<1x10000xf32, #tpu.memory_space<hbm>> -> memref<10000xf32, #tpu.memory_space<hbm>>
      tpu.enqueue_dma source(%dma_start3A_16 : memref<10000xf32, #tpu.memory_space<hbm>>) target(%arg7 : memref<10000xf32, #tpu.memory_space<vmem>>) target_semaphore(%run_scoped3A : memref<!tpu.dma_semaphore, #tpu.memory_space<semaphore_mem>>)
      %dma_wait3A = arith.constant 0 : i32
      %dma_wait3A_17 = tpu.memref_slice %arg2[%add3A, %dma_wait3A] : memref<32x10000xf32, #tpu.memory_space<hbm>> -> memref<1x10000xf32, #tpu.memory_space<hbm>>
      %dma_wait3A_18 = tpu.memref_squeeze %dma_wait3A_17 : memref<1x10000xf32, #tpu.memory_space<hbm>> -> memref<10000xf32, #tpu.memory_space<hbm>>
      %dma_wait3A_19 = arith.constant 0 : i32
      %dma_wait3A_20 = tpu.memref_slice %arg2[%add3A, %dma_wait3A_19] : memref<32x10000xf32, #tpu.memory_space<hbm>> -> memref<1x10000xf32, #tpu.memory_space<hbm>>
      %dma_wait3A_21 = tpu.memref_squeeze %dma_wait3A_20 : memref<1x10000xf32, #tpu.memory_space<hbm>> -> memref<10000xf32, #tpu.memory_space<hbm>>
      tpu.wait_dma2 semaphore(%run_scoped3A : memref<!tpu.dma_semaphore, #tpu.memory_space<semaphore_mem>>) src(%dma_wait3A_21 : memref<10000xf32, #tpu.memory_space<hbm>>) dst(%arg7 : memref<10000xf32, #tpu.memory_space<vmem>>)
      tpu.yield
    }) : () -> ()
    %scan3A = arith.constant 0 : i32
    %scan3A_1 = arith.constant 0 : i32
    %scan3A_2 = arith.constant 625 : i32
    %scan3A_3 = arith.addi %scan3A_1, %scan3A_2 : i32
    %scan3A_4 = arith.constant 1 : i32
    scf.for %scan3A_12 = %scan3A_1 to %scan3A_3 step %scan3A_4  : i32 {
      %broadcast_in_dim3A = arith.constant 0.000000e+00 : f32
      %broadcast_in_dim3A_13 = vector.broadcast %broadcast_in_dim3A : f32 to vector<16xf32>
      %mul3A_14 = arith.constant 16 : i32
      %mul3A_15 = arith.muli %scan3A_12, %mul3A_14 : i32
      %swap3A = arith.index_cast %mul3A_15 : i32 to index
      %swap3A_16 = tpu.vector_load %arg8[%swap3A] {strides = array<i32>} : memref<10000xf32, #tpu.memory_space<vmem>>, vector<16xf32>,
      tpu.vector_store %arg8[%swap3A], %broadcast_in_dim3A_13 {strides = array<i32>} : memref<10000xf32, #tpu.memory_space<vmem>>, vector<16xf32>,
    }
    %scan3A_5 = arith.constant 625 : i32
    %scan3A_6 = arith.constant 0 : i32
    %scan3A_7 = arith.constant 0 : i32
    %scan3A_8 = arith.constant 40 : i32
    %scan3A_9 = arith.addi %scan3A_7, %scan3A_8 : i32
    %scan3A_10 = arith.constant 1 : i32
    scf.for %scan3A_12 = %scan3A_7 to %scan3A_9 step %scan3A_10  : i32 {
      %mul3A_13 = arith.constant 8000 : i32
      %mul3A_14 = arith.muli %scan3A_12, %mul3A_13 : i32
      %multiple_of3A = tpu.assume_multiple %mul3A_14, 8000 : i32
      "tpu.region"() ({
        %run_scoped3A = tpu.sem_alloc : memref<!tpu.dma_semaphore, #tpu.memory_space<semaphore_mem>>
        %dma_start3A = tpu.memref_slice %arg3[%multiple_of3A] : memref<320000xi32, #tpu.memory_space<hbm>> -> memref<8000xi32, #tpu.memory_space<hbm>>
        %dma_start3A_21 = tpu.memref_slice %arg3[%multiple_of3A] : memref<320000xi32, #tpu.memory_space<hbm>> -> memref<8000xi32, #tpu.memory_space<hbm>>
        tpu.enqueue_dma source(%dma_start3A_21 : memref<8000xi32, #tpu.memory_space<hbm>>) target(%arg9 : memref<8000xi32, #tpu.memory_space<vmem>>) target_semaphore(%run_scoped3A : memref<!tpu.dma_semaphore, #tpu.memory_space<semaphore_mem>>)
        %dma_wait3A = tpu.memref_slice %arg3[%multiple_of3A] : memref<320000xi32, #tpu.memory_space<hbm>> -> memref<8000xi32, #tpu.memory_space<hbm>>
        %dma_wait3A_22 = tpu.memref_slice %arg3[%multiple_of3A] : memref<320000xi32, #tpu.memory_space<hbm>> -> memref<8000xi32, #tpu.memory_space<hbm>>
        tpu.wait_dma2 semaphore(%run_scoped3A : memref<!tpu.dma_semaphore, #tpu.memory_space<semaphore_mem>>) src(%dma_wait3A_22 : memref<8000xi32, #tpu.memory_space<hbm>>) dst(%arg9 : memref<8000xi32, #tpu.memory_space<vmem>>)
        tpu.yield
      }) : () -> ()
      "tpu.region"() ({
        %run_scoped3A = tpu.sem_alloc : memref<!tpu.dma_semaphore, #tpu.memory_space<semaphore_mem>>
        %dma_start3A = tpu.memref_slice %arg4[%multiple_of3A] : memref<320000xi32, #tpu.memory_space<hbm>> -> memref<8000xi32, #tpu.memory_space<hbm>>
        %dma_start3A_21 = tpu.memref_slice %arg4[%multiple_of3A] : memref<320000xi32, #tpu.memory_space<hbm>> -> memref<8000xi32, #tpu.memory_space<hbm>>
        tpu.enqueue_dma source(%dma_start3A_21 : memref<8000xi32, #tpu.memory_space<hbm>>) target(%arg10 : memref<8000xi32, #tpu.memory_space<vmem>>) target_semaphore(%run_scoped3A : memref<!tpu.dma_semaphore, #tpu.memory_space<semaphore_mem>>)
        %dma_wait3A = tpu.memref_slice %arg4[%multiple_of3A] : memref<320000xi32, #tpu.memory_space<hbm>> -> memref<8000xi32, #tpu.memory_space<hbm>>
        %dma_wait3A_22 = tpu.memref_slice %arg4[%multiple_of3A] : memref<320000xi32, #tpu.memory_space<hbm>> -> memref<8000xi32, #tpu.memory_space<hbm>>
        tpu.wait_dma2 semaphore(%run_scoped3A : memref<!tpu.dma_semaphore, #tpu.memory_space<semaphore_mem>>) src(%dma_wait3A_22 : memref<8000xi32, #tpu.memory_space<hbm>>) dst(%arg10 : memref<8000xi32, #tpu.memory_space<vmem>>)
        tpu.yield
      }) : () -> ()
      "tpu.region"() ({
        %run_scoped3A = tpu.sem_alloc : memref<!tpu.dma_semaphore, #tpu.memory_space<semaphore_mem>>
        %dma_start3A = tpu.memref_slice %arg5[%multiple_of3A] : memref<320000xf32, #tpu.memory_space<hbm>> -> memref<8000xf32, #tpu.memory_space<hbm>>
        %dma_start3A_21 = tpu.memref_slice %arg5[%multiple_of3A] : memref<320000xf32, #tpu.memory_space<hbm>> -> memref<8000xf32, #tpu.memory_space<hbm>>
        tpu.enqueue_dma source(%dma_start3A_21 : memref<8000xf32, #tpu.memory_space<hbm>>) target(%arg11 : memref<8000xf32, #tpu.memory_space<vmem>>) target_semaphore(%run_scoped3A : memref<!tpu.dma_semaphore, #tpu.memory_space<semaphore_mem>>)
        %dma_wait3A = tpu.memref_slice %arg5[%multiple_of3A] : memref<320000xf32, #tpu.memory_space<hbm>> -> memref<8000xf32, #tpu.memory_space<hbm>>
        %dma_wait3A_22 = tpu.memref_slice %arg5[%multiple_of3A] : memref<320000xf32, #tpu.memory_space<hbm>> -> memref<8000xf32, #tpu.memory_space<hbm>>
        tpu.wait_dma2 semaphore(%run_scoped3A : memref<!tpu.dma_semaphore, #tpu.memory_space<semaphore_mem>>) src(%dma_wait3A_22 : memref<8000xf32, #tpu.memory_space<hbm>>) dst(%arg11 : memref<8000xf32, #tpu.memory_space<vmem>>)
        tpu.yield
      }) : () -> ()
      %scan3A_15 = arith.constant 0 : i32
      %scan3A_16 = arith.constant 0 : i32
      %scan3A_17 = arith.constant 500 : i32
      %scan3A_18 = arith.addi %scan3A_16, %scan3A_17 : i32
      %scan3A_19 = arith.constant 1 : i32
      scf.for %scan3A_21 = %scan3A_16 to %scan3A_18 step %scan3A_19  : i32 {
        %mul3A_22 = arith.constant 16 : i32
        %mul3A_23 = arith.muli %scan3A_21, %mul3A_22 : i32
        %get3A = arith.index_cast %mul3A_23 : i32 to index
        %get3A_24 = tpu.vector_load %arg9[%get3A] {strides = array<i32>} : memref<8000xi32, #tpu.memory_space<vmem>>, vector<16xi32>,
        %mul3A_25 = arith.constant 16 : i32
        %mul3A_26 = arith.muli %scan3A_21, %mul3A_25 : i32
        %get3A_27 = arith.index_cast %mul3A_26 : i32 to index
        %get3A_28 = tpu.vector_load %arg10[%get3A_27] {strides = array<i32>} : memref<8000xi32, #tpu.memory_space<vmem>>, vector<16xi32>,
        %mul3A_29 = arith.constant 16 : i32
        %mul3A_30 = arith.muli %scan3A_21, %mul3A_29 : i32
        %get3A_31 = arith.index_cast %mul3A_30 : i32 to index
        %get3A_32 = tpu.vector_load %arg11[%get3A_31] {strides = array<i32>} : memref<8000xf32, #tpu.memory_space<vmem>>, vector<16xf32>,
        %gather3A = tpu.vector_load_idx %arg7[%get3A_24] : memref<10000xf32, #tpu.memory_space<vmem>>[vector<16xi32>], vector<16xf32>,
        %mul3A_33 = arith.mulf %gather3A, %get3A_32 : vector<16xf32>
        tpu.vector_store_idx %arg8[%get3A_28], %mul3A_33 {add = true} : memref<10000xf32, #tpu.memory_space<vmem>>[vector<16xi32>], vector<16xf32>,
      }
      %scan3A_20 = arith.constant 500 : i32
    }
    %scan3A_11 = arith.constant 40 : i32
    "tpu.region"() ({
      %run_scoped3A = tpu.sem_alloc : memref<!tpu.dma_semaphore, #tpu.memory_space<semaphore_mem>>
      %dma_start3A = arith.constant 0 : i32
      %dma_start3A_12 = tpu.memref_slice %arg6[%add3A, %dma_start3A] : memref<32x10000xf32, #tpu.memory_space<hbm>> -> memref<1x10000xf32, #tpu.memory_space<hbm>>
      %dma_start3A_13 = tpu.memref_squeeze %dma_start3A_12 : memref<1x10000xf32, #tpu.memory_space<hbm>> -> memref<10000xf32, #tpu.memory_space<hbm>>
      %dma_start3A_14 = arith.constant 0 : i32
      %dma_start3A_15 = tpu.memref_slice %arg6[%add3A, %dma_start3A_14] : memref<32x10000xf32, #tpu.memory_space<hbm>> -> memref<1x10000xf32, #tpu.memory_space<hbm>>
      %dma_start3A_16 = tpu.memref_squeeze %dma_start3A_15 : memref<1x10000xf32, #tpu.memory_space<hbm>> -> memref<10000xf32, #tpu.memory_space<hbm>>
      tpu.enqueue_dma source(%arg8 : memref<10000xf32, #tpu.memory_space<vmem>>) target(%dma_start3A_16 : memref<10000xf32, #tpu.memory_space<hbm>>) target_semaphore(%run_scoped3A : memref<!tpu.dma_semaphore, #tpu.memory_space<semaphore_mem>>)
      %dma_wait3A = arith.constant 0 : i32
      %dma_wait3A_17 = tpu.memref_slice %arg6[%add3A, %dma_wait3A] : memref<32x10000xf32, #tpu.memory_space<hbm>> -> memref<1x10000xf32, #tpu.memory_space<hbm>>
      %dma_wait3A_18 = tpu.memref_squeeze %dma_wait3A_17 : memref<1x10000xf32, #tpu.memory_space<hbm>> -> memref<10000xf32, #tpu.memory_space<hbm>>
      %dma_wait3A_19 = arith.constant 0 : i32
      %dma_wait3A_20 = tpu.memref_slice %arg6[%add3A, %dma_wait3A_19] : memref<32x10000xf32, #tpu.memory_space<hbm>> -> memref<1x10000xf32, #tpu.memory_space<hbm>>
      %dma_wait3A_21 = tpu.memref_squeeze %dma_wait3A_20 : memref<1x10000xf32, #tpu.memory_space<hbm>> -> memref<10000xf32, #tpu.memory_space<hbm>>
      tpu.wait_dma2 semaphore(%run_scoped3A : memref<!tpu.dma_semaphore, #tpu.memory_space<semaphore_mem>>) src(%arg8 : memref<10000xf32, #tpu.memory_space<vmem>>) dst(%dma_wait3A_21 : memref<10000xf32, #tpu.memory_space<hbm>>)
      tpu.yield
    }) : () -> ()
    return
  }
}

#map = affine_map<(d0, d1) -> (0, 0)>
#map1 = affine_map<(d0, d1) -> (0)>
module attributes {stable_mosaic.version = 14 : i64} {
  func.func @k(%arg0: i32, %arg1: i32, %arg2: memref<32x10000xf32, #tpu.memory_space<hbm>>, %arg3: memref<320000xi32, #tpu.memory_space<hbm>>, %arg4: memref<320000xi32, #tpu.memory_space<hbm>>, %arg5: memref<320000xf32, #tpu.memory_space<hbm>>, %arg6: memref<32x10000xf32, #tpu.memory_space<hbm>>, %arg7: memref<10000xf32, #tpu.memory_space<vmem>>, %arg8: memref<10000xf32, #tpu.memory_space<vmem>>, %arg9: memref<8000xi32, #tpu.memory_space<vmem>>, %arg10: memref<8000xi32, #tpu.memory_space<vmem>>, %arg11: memref<8000xf32, #tpu.memory_space<vmem>>) attributes {dimension_semantics = [#tpu.dimension_semantics<core_parallel>, #tpu.dimension_semantics<subcore_parallel>], iteration_bounds = array<i64: 2, 16>, scalar_prefetch = 0 : i64, scratch_operands = 5 : i64, tpu.core_type = #tpu.core_type<sc_vector_subcore>, window_params = [{transform_indices = #map}, {transform_indices = #map1}, {transform_indices = #map1}, {transform_indices = #map1}, {transform_indices = #map}]} {
    %mul3A = arith.constant 2 : i32
    %mul3A_0 = arith.muli %arg1, %mul3A : i32
    %add3A = arith.addi %mul3A_0, %arg0 : i32
    "tpu.region"() ({
      %run_scoped3A = tpu.sem_alloc : memref<!tpu.dma_semaphore, #tpu.memory_space<semaphore_mem>>
      %dma_start3A = arith.constant 0 : i32
      %dma_start3A_12 = tpu.memref_slice %arg2[%add3A, %dma_start3A] : memref<32x10000xf32, #tpu.memory_space<hbm>> -> memref<1x10000xf32, #tpu.memory_space<hbm>>
      %dma_start3A_13 = tpu.memref_squeeze %dma_start3A_12 : memref<1x10000xf32, #tpu.memory_space<hbm>> -> memref<10000xf32, #tpu.memory_space<hbm>>
      %dma_start3A_14 = arith.constant 0 : i32
      %dma_start3A_15 = tpu.memref_slice %arg2[%add3A, %dma_start3A_14] : memref<32x10000xf32, #tpu.memory_space<hbm>> -> memref<1x10000xf32, #tpu.memory_space<hbm>>
      %dma_start3A_16 = tpu.memref_squeeze %dma_start3A_15 : memref<1x10000xf32, #tpu.memory_space<hbm>> -> memref<10000xf32, #tpu.memory_space<hbm>>
      tpu.enqueue_dma source(%dma_start3A_16 : memref<10000xf32, #tpu.memory_space<hbm>>) target(%arg7 : memref<10000xf32, #tpu.memory_space<vmem>>) target_semaphore(%run_scoped3A : memref<!tpu.dma_semaphore, #tpu.memory_space<semaphore_mem>>)
      %dma_wait3A = arith.constant 0 : i32
      %dma_wait3A_17 = tpu.memref_slice %arg2[%add3A, %dma_wait3A] : memref<32x10000xf32, #tpu.memory_space<hbm>> -> memref<1x10000xf32, #tpu.memory_space<hbm>>
      %dma_wait3A_18 = tpu.memref_squeeze %dma_wait3A_17 : memref<1x10000xf32, #tpu.memory_space<hbm>> -> memref<10000xf32, #tpu.memory_space<hbm>>
      %dma_wait3A_19 = arith.constant 0 : i32
      %dma_wait3A_20 = tpu.memref_slice %arg2[%add3A, %dma_wait3A_19] : memref<32x10000xf32, #tpu.memory_space<hbm>> -> memref<1x10000xf32, #tpu.memory_space<hbm>>
      %dma_wait3A_21 = tpu.memref_squeeze %dma_wait3A_20 : memref<1x10000xf32, #tpu.memory_space<hbm>> -> memref<10000xf32, #tpu.memory_space<hbm>>
      tpu.wait_dma2 semaphore(%run_scoped3A : memref<!tpu.dma_semaphore, #tpu.memory_space<semaphore_mem>>) src(%dma_wait3A_21 : memref<10000xf32, #tpu.memory_space<hbm>>) dst(%arg7 : memref<10000xf32, #tpu.memory_space<vmem>>)
      tpu.yield
    }) : () -> ()
    %scan3A = arith.constant 0 : i32
    %scan3A_1 = arith.constant 0 : i32
    %scan3A_2 = arith.constant 625 : i32
    %scan3A_3 = arith.addi %scan3A_1, %scan3A_2 : i32
    %scan3A_4 = arith.constant 1 : i32
    scf.for %scan3A_12 = %scan3A_1 to %scan3A_3 step %scan3A_4  : i32 {
      %broadcast_in_dim3A = arith.constant 0.000000e+00 : f32
      %broadcast_in_dim3A_13 = vector.broadcast %broadcast_in_dim3A : f32 to vector<16xf32>
      %mul3A_14 = arith.constant 16 : i32
      %mul3A_15 = arith.muli %scan3A_12, %mul3A_14 : i32
      %swap3A = arith.index_cast %mul3A_15 : i32 to index
      %swap3A_16 = tpu.vector_load %arg8[%swap3A] {strides = array<i32>} : memref<10000xf32, #tpu.memory_space<vmem>>, vector<16xf32>,
      tpu.vector_store %arg8[%swap3A], %broadcast_in_dim3A_13 {strides = array<i32>} : memref<10000xf32, #tpu.memory_space<vmem>>, vector<16xf32>,
    }
    %scan3A_5 = arith.constant 625 : i32
    %scan3A_6 = arith.constant 0 : i32
    %scan3A_7 = arith.constant 0 : i32
    %scan3A_8 = arith.constant 40 : i32
    %scan3A_9 = arith.addi %scan3A_7, %scan3A_8 : i32
    %scan3A_10 = arith.constant 1 : i32
    scf.for %scan3A_12 = %scan3A_7 to %scan3A_9 step %scan3A_10  : i32 {
      %mul3A_13 = arith.constant 8000 : i32
      %mul3A_14 = arith.muli %scan3A_12, %mul3A_13 : i32
      %multiple_of3A = tpu.assume_multiple %mul3A_14, 8000 : i32
      "tpu.region"() ({
        %run_scoped3A = tpu.sem_alloc : memref<!tpu.dma_semaphore, #tpu.memory_space<semaphore_mem>>
        %dma_start3A = tpu.memref_slice %arg3[%multiple_of3A] : memref<320000xi32, #tpu.memory_space<hbm>> -> memref<8000xi32, #tpu.memory_space<hbm>>
        %dma_start3A_21 = tpu.memref_slice %arg3[%multiple_of3A] : memref<320000xi32, #tpu.memory_space<hbm>> -> memref<8000xi32, #tpu.memory_space<hbm>>
        tpu.enqueue_dma source(%dma_start3A_21 : memref<8000xi32, #tpu.memory_space<hbm>>) target(%arg9 : memref<8000xi32, #tpu.memory_space<vmem>>) target_semaphore(%run_scoped3A : memref<!tpu.dma_semaphore, #tpu.memory_space<semaphore_mem>>)
        %dma_wait3A = tpu.memref_slice %arg3[%multiple_of3A] : memref<320000xi32, #tpu.memory_space<hbm>> -> memref<8000xi32, #tpu.memory_space<hbm>>
        %dma_wait3A_22 = tpu.memref_slice %arg3[%multiple_of3A] : memref<320000xi32, #tpu.memory_space<hbm>> -> memref<8000xi32, #tpu.memory_space<hbm>>
        tpu.wait_dma2 semaphore(%run_scoped3A : memref<!tpu.dma_semaphore, #tpu.memory_space<semaphore_mem>>) src(%dma_wait3A_22 : memref<8000xi32, #tpu.memory_space<hbm>>) dst(%arg9 : memref<8000xi32, #tpu.memory_space<vmem>>)
        tpu.yield
      }) : () -> ()
      "tpu.region"() ({
        %run_scoped3A = tpu.sem_alloc : memref<!tpu.dma_semaphore, #tpu.memory_space<semaphore_mem>>
        %dma_start3A = tpu.memref_slice %arg4[%multiple_of3A] : memref<320000xi32, #tpu.memory_space<hbm>> -> memref<8000xi32, #tpu.memory_space<hbm>>
        %dma_start3A_21 = tpu.memref_slice %arg4[%multiple_of3A] : memref<320000xi32, #tpu.memory_space<hbm>> -> memref<8000xi32, #tpu.memory_space<hbm>>
        tpu.enqueue_dma source(%dma_start3A_21 : memref<8000xi32, #tpu.memory_space<hbm>>) target(%arg10 : memref<8000xi32, #tpu.memory_space<vmem>>) target_semaphore(%run_scoped3A : memref<!tpu.dma_semaphore, #tpu.memory_space<semaphore_mem>>)
        %dma_wait3A = tpu.memref_slice %arg4[%multiple_of3A] : memref<320000xi32, #tpu.memory_space<hbm>> -> memref<8000xi32, #tpu.memory_space<hbm>>
        %dma_wait3A_22 = tpu.memref_slice %arg4[%multiple_of3A] : memref<320000xi32, #tpu.memory_space<hbm>> -> memref<8000xi32, #tpu.memory_space<hbm>>
        tpu.wait_dma2 semaphore(%run_scoped3A : memref<!tpu.dma_semaphore, #tpu.memory_space<semaphore_mem>>) src(%dma_wait3A_22 : memref<8000xi32, #tpu.memory_space<hbm>>) dst(%arg10 : memref<8000xi32, #tpu.memory_space<vmem>>)
        tpu.yield
      }) : () -> ()
      "tpu.region"() ({
        %run_scoped3A = tpu.sem_alloc : memref<!tpu.dma_semaphore, #tpu.memory_space<semaphore_mem>>
        %dma_start3A = tpu.memref_slice %arg5[%multiple_of3A] : memref<320000xf32, #tpu.memory_space<hbm>> -> memref<8000xf32, #tpu.memory_space<hbm>>
        %dma_start3A_21 = tpu.memref_slice %arg5[%multiple_of3A] : memref<320000xf32, #tpu.memory_space<hbm>> -> memref<8000xf32, #tpu.memory_space<hbm>>
        tpu.enqueue_dma source(%dma_start3A_21 : memref<8000xf32, #tpu.memory_space<hbm>>) target(%arg11 : memref<8000xf32, #tpu.memory_space<vmem>>) target_semaphore(%run_scoped3A : memref<!tpu.dma_semaphore, #tpu.memory_space<semaphore_mem>>)
        %dma_wait3A = tpu.memref_slice %arg5[%multiple_of3A] : memref<320000xf32, #tpu.memory_space<hbm>> -> memref<8000xf32, #tpu.memory_space<hbm>>
        %dma_wait3A_22 = tpu.memref_slice %arg5[%multiple_of3A] : memref<320000xf32, #tpu.memory_space<hbm>> -> memref<8000xf32, #tpu.memory_space<hbm>>
        tpu.wait_dma2 semaphore(%run_scoped3A : memref<!tpu.dma_semaphore, #tpu.memory_space<semaphore_mem>>) src(%dma_wait3A_22 : memref<8000xf32, #tpu.memory_space<hbm>>) dst(%arg11 : memref<8000xf32, #tpu.memory_space<vmem>>)
        tpu.yield
      }) : () -> ()
      %scan3A_15 = arith.constant 0 : i32
      %scan3A_16 = arith.constant 0 : i32
      %scan3A_17 = arith.constant 500 : i32
      %scan3A_18 = arith.addi %scan3A_16, %scan3A_17 : i32
      %scan3A_19 = arith.constant 1 : i32
      scf.for %scan3A_21 = %scan3A_16 to %scan3A_18 step %scan3A_19  : i32 {
        %mul3A_22 = arith.constant 16 : i32
        %mul3A_23 = arith.muli %scan3A_21, %mul3A_22 : i32
        %get3A = arith.index_cast %mul3A_23 : i32 to index
        %get3A_24 = tpu.vector_load %arg9[%get3A] {strides = array<i32>} : memref<8000xi32, #tpu.memory_space<vmem>>, vector<16xi32>,
        %mul3A_25 = arith.constant 16 : i32
        %mul3A_26 = arith.muli %scan3A_21, %mul3A_25 : i32
        %get3A_27 = arith.index_cast %mul3A_26 : i32 to index
        %get3A_28 = tpu.vector_load %arg10[%get3A_27] {strides = array<i32>} : memref<8000xi32, #tpu.memory_space<vmem>>, vector<16xi32>,
        %mul3A_29 = arith.constant 16 : i32
        %mul3A_30 = arith.muli %scan3A_21, %mul3A_29 : i32
        %get3A_31 = arith.index_cast %mul3A_30 : i32 to index
        %get3A_32 = tpu.vector_load %arg11[%get3A_31] {strides = array<i32>} : memref<8000xf32, #tpu.memory_space<vmem>>, vector<16xf32>,
        %gather3A = tpu.vector_load_idx %arg7[%get3A_24] : memref<10000xf32, #tpu.memory_space<vmem>>[vector<16xi32>], vector<16xf32>,
        %mul3A_33 = arith.mulf %gather3A, %get3A_32 : vector<16xf32>
        tpu.vector_store_idx %arg8[%get3A_28], %mul3A_33 {add = true} : memref<10000xf32, #tpu.memory_space<vmem>>[vector<16xi32>], vector<16xf32>,
      }
      %scan3A_20 = arith.constant 500 : i32
    }
    %scan3A_11 = arith.constant 40 : i32
    "tpu.region"() ({
      %run_scoped3A = tpu.sem_alloc : memref<!tpu.dma_semaphore, #tpu.memory_space<semaphore_mem>>
      %dma_start3A = arith.constant 0 : i32
      %dma_start3A_12 = tpu.memref_slice %arg6[%add3A, %dma_start3A] : memref<32x10000xf32, #tpu.memory_space<hbm>> -> memref<1x10000xf32, #tpu.memory_space<hbm>>
      %dma_start3A_13 = tpu.memref_squeeze %dma_start3A_12 : memref<1x10000xf32, #tpu.memory_space<hbm>> -> memref<10000xf32, #tpu.memory_space<hbm>>
      %dma_start3A_14 = arith.constant 0 : i32
      %dma_start3A_15 = tpu.memref_slice %arg6[%add3A, %dma_start3A_14] : memref<32x10000xf32, #tpu.memory_space<hbm>> -> memref<1x10000xf32, #tpu.memory_space<hbm>>
      %dma_start3A_16 = tpu.memref_squeeze %dma_start3A_15 : memref<1x10000xf32, #tpu.memory_space<hbm>> -> memref<10000xf32, #tpu.memory_space<hbm>>
      tpu.enqueue_dma source(%arg8 : memref<10000xf32, #tpu.memory_space<vmem>>) target(%dma_start3A_16 : memref<10000xf32, #tpu.memory_space<hbm>>) target_semaphore(%run_scoped3A : memref<!tpu.dma_semaphore, #tpu.memory_space<semaphore_mem>>)
      %dma_wait3A = arith.constant 0 : i32
      %dma_wait3A_17 = tpu.memref_slice %arg6[%add3A, %dma_wait3A] : memref<32x10000xf32, #tpu.memory_space<hbm>> -> memref<1x10000xf32, #tpu.memory_space<hbm>>
      %dma_wait3A_18 = tpu.memref_squeeze %dma_wait3A_17 : memref<1x10000xf32, #tpu.memory_space<hbm>> -> memref<10000xf32, #tpu.memory_space<hbm>>
      %dma_wait3A_19 = arith.constant 0 : i32
      %dma_wait3A_20 = tpu.memref_slice %arg6[%add3A, %dma_wait3A_19] : memref<32x10000xf32, #tpu.memory_space<hbm>> -> memref<1x10000xf32, #tpu.memory_space<hbm>>
      %dma_wait3A_21 = tpu.memref_squeeze %dma_wait3A_20 : memref<1x10000xf32, #tpu.memory_space<hbm>> -> memref<10000xf32, #tpu.memory_space<hbm>>
      tpu.wait_dma2 semaphore(%run_scoped3A : memref<!tpu.dma_semaphore, #tpu.memory_space<semaphore_mem>>) src(%arg8 : memref<10000xf32, #tpu.memory_space<vmem>>) dst(%dma_wait3A_21 : memref<10000xf32, #tpu.memory_space<hbm>>)
      tpu.yield
    }) : () -> ()
    return
  }
}

#map = affine_map<(d0, d1) -> (0, 0)>
#map1 = affine_map<(d0, d1) -> (0)>
module attributes {stable_mosaic.version = 14 : i64} {
  func.func @k(%arg0: i32, %arg1: i32, %arg2: memref<32x10000xf32, #tpu.memory_space<hbm>>, %arg3: memref<320000xi32, #tpu.memory_space<hbm>>, %arg4: memref<320000xi32, #tpu.memory_space<hbm>>, %arg5: memref<320000xf32, #tpu.memory_space<hbm>>, %arg6: memref<32x10000xf32, #tpu.memory_space<hbm>>, %arg7: memref<10000xf32, #tpu.memory_space<vmem>>, %arg8: memref<10000xf32, #tpu.memory_space<vmem>>, %arg9: memref<8000xi32, #tpu.memory_space<vmem>>, %arg10: memref<8000xi32, #tpu.memory_space<vmem>>, %arg11: memref<8000xf32, #tpu.memory_space<vmem>>) attributes {dimension_semantics = [#tpu.dimension_semantics<core_parallel>, #tpu.dimension_semantics<subcore_parallel>], iteration_bounds = array<i64: 2, 16>, scalar_prefetch = 0 : i64, scratch_operands = 5 : i64, tpu.core_type = #tpu.core_type<sc_vector_subcore>, window_params = [{transform_indices = #map}, {transform_indices = #map1}, {transform_indices = #map1}, {transform_indices = #map1}, {transform_indices = #map}]} {
    %mul3A = arith.constant 2 : i32
    %mul3A_0 = arith.muli %arg1, %mul3A : i32
    %add3A = arith.addi %mul3A_0, %arg0 : i32
    "tpu.region"() ({
      %run_scoped3A = tpu.sem_alloc : memref<!tpu.dma_semaphore, #tpu.memory_space<semaphore_mem>>
      %dma_start3A = arith.constant 0 : i32
      %dma_start3A_12 = tpu.memref_slice %arg2[%add3A, %dma_start3A] : memref<32x10000xf32, #tpu.memory_space<hbm>> -> memref<1x10000xf32, #tpu.memory_space<hbm>>
      %dma_start3A_13 = tpu.memref_squeeze %dma_start3A_12 : memref<1x10000xf32, #tpu.memory_space<hbm>> -> memref<10000xf32, #tpu.memory_space<hbm>>
      %dma_start3A_14 = arith.constant 0 : i32
      %dma_start3A_15 = tpu.memref_slice %arg2[%add3A, %dma_start3A_14] : memref<32x10000xf32, #tpu.memory_space<hbm>> -> memref<1x10000xf32, #tpu.memory_space<hbm>>
      %dma_start3A_16 = tpu.memref_squeeze %dma_start3A_15 : memref<1x10000xf32, #tpu.memory_space<hbm>> -> memref<10000xf32, #tpu.memory_space<hbm>>
      tpu.enqueue_dma source(%dma_start3A_16 : memref<10000xf32, #tpu.memory_space<hbm>>) target(%arg7 : memref<10000xf32, #tpu.memory_space<vmem>>) target_semaphore(%run_scoped3A : memref<!tpu.dma_semaphore, #tpu.memory_space<semaphore_mem>>)
      %dma_wait3A = arith.constant 0 : i32
      %dma_wait3A_17 = tpu.memref_slice %arg2[%add3A, %dma_wait3A] : memref<32x10000xf32, #tpu.memory_space<hbm>> -> memref<1x10000xf32, #tpu.memory_space<hbm>>
      %dma_wait3A_18 = tpu.memref_squeeze %dma_wait3A_17 : memref<1x10000xf32, #tpu.memory_space<hbm>> -> memref<10000xf32, #tpu.memory_space<hbm>>
      %dma_wait3A_19 = arith.constant 0 : i32
      %dma_wait3A_20 = tpu.memref_slice %arg2[%add3A, %dma_wait3A_19] : memref<32x10000xf32, #tpu.memory_space<hbm>> -> memref<1x10000xf32, #tpu.memory_space<hbm>>
      %dma_wait3A_21 = tpu.memref_squeeze %dma_wait3A_20 : memref<1x10000xf32, #tpu.memory_space<hbm>> -> memref<10000xf32, #tpu.memory_space<hbm>>
      tpu.wait_dma2 semaphore(%run_scoped3A : memref<!tpu.dma_semaphore, #tpu.memory_space<semaphore_mem>>) src(%dma_wait3A_21 : memref<10000xf32, #tpu.memory_space<hbm>>) dst(%arg7 : memref<10000xf32, #tpu.memory_space<vmem>>)
      tpu.yield
    }) : () -> ()
    %scan3A = arith.constant 0 : i32
    %scan3A_1 = arith.constant 0 : i32
    %scan3A_2 = arith.constant 625 : i32
    %scan3A_3 = arith.addi %scan3A_1, %scan3A_2 : i32
    %scan3A_4 = arith.constant 1 : i32
    scf.for %scan3A_12 = %scan3A_1 to %scan3A_3 step %scan3A_4  : i32 {
      %broadcast_in_dim3A = arith.constant 0.000000e+00 : f32
      %broadcast_in_dim3A_13 = vector.broadcast %broadcast_in_dim3A : f32 to vector<16xf32>
      %mul3A_14 = arith.constant 16 : i32
      %mul3A_15 = arith.muli %scan3A_12, %mul3A_14 : i32
      %swap3A = arith.index_cast %mul3A_15 : i32 to index
      %swap3A_16 = tpu.vector_load %arg8[%swap3A] {strides = array<i32>} : memref<10000xf32, #tpu.memory_space<vmem>>, vector<16xf32>,
      tpu.vector_store %arg8[%swap3A], %broadcast_in_dim3A_13 {strides = array<i32>} : memref<10000xf32, #tpu.memory_space<vmem>>, vector<16xf32>,
    }
    %scan3A_5 = arith.constant 625 : i32
    %scan3A_6 = arith.constant 0 : i32
    %scan3A_7 = arith.constant 0 : i32
    %scan3A_8 = arith.constant 40 : i32
    %scan3A_9 = arith.addi %scan3A_7, %scan3A_8 : i32
    %scan3A_10 = arith.constant 1 : i32
    scf.for %scan3A_12 = %scan3A_7 to %scan3A_9 step %scan3A_10  : i32 {
      %mul3A_13 = arith.constant 8000 : i32
      %mul3A_14 = arith.muli %scan3A_12, %mul3A_13 : i32
      %multiple_of3A = tpu.assume_multiple %mul3A_14, 8000 : i32
      "tpu.region"() ({
        %run_scoped3A = tpu.sem_alloc : memref<!tpu.dma_semaphore, #tpu.memory_space<semaphore_mem>>
        %dma_start3A = tpu.memref_slice %arg3[%multiple_of3A] : memref<320000xi32, #tpu.memory_space<hbm>> -> memref<8000xi32, #tpu.memory_space<hbm>>
        %dma_start3A_21 = tpu.memref_slice %arg3[%multiple_of3A] : memref<320000xi32, #tpu.memory_space<hbm>> -> memref<8000xi32, #tpu.memory_space<hbm>>
        tpu.enqueue_dma source(%dma_start3A_21 : memref<8000xi32, #tpu.memory_space<hbm>>) target(%arg9 : memref<8000xi32, #tpu.memory_space<vmem>>) target_semaphore(%run_scoped3A : memref<!tpu.dma_semaphore, #tpu.memory_space<semaphore_mem>>)
        %dma_wait3A = tpu.memref_slice %arg3[%multiple_of3A] : memref<320000xi32, #tpu.memory_space<hbm>> -> memref<8000xi32, #tpu.memory_space<hbm>>
        %dma_wait3A_22 = tpu.memref_slice %arg3[%multiple_of3A] : memref<320000xi32, #tpu.memory_space<hbm>> -> memref<8000xi32, #tpu.memory_space<hbm>>
        tpu.wait_dma2 semaphore(%run_scoped3A : memref<!tpu.dma_semaphore, #tpu.memory_space<semaphore_mem>>) src(%dma_wait3A_22 : memref<8000xi32, #tpu.memory_space<hbm>>) dst(%arg9 : memref<8000xi32, #tpu.memory_space<vmem>>)
        tpu.yield
      }) : () -> ()
      "tpu.region"() ({
        %run_scoped3A = tpu.sem_alloc : memref<!tpu.dma_semaphore, #tpu.memory_space<semaphore_mem>>
        %dma_start3A = tpu.memref_slice %arg4[%multiple_of3A] : memref<320000xi32, #tpu.memory_space<hbm>> -> memref<8000xi32, #tpu.memory_space<hbm>>
        %dma_start3A_21 = tpu.memref_slice %arg4[%multiple_of3A] : memref<320000xi32, #tpu.memory_space<hbm>> -> memref<8000xi32, #tpu.memory_space<hbm>>
        tpu.enqueue_dma source(%dma_start3A_21 : memref<8000xi32, #tpu.memory_space<hbm>>) target(%arg10 : memref<8000xi32, #tpu.memory_space<vmem>>) target_semaphore(%run_scoped3A : memref<!tpu.dma_semaphore, #tpu.memory_space<semaphore_mem>>)
        %dma_wait3A = tpu.memref_slice %arg4[%multiple_of3A] : memref<320000xi32, #tpu.memory_space<hbm>> -> memref<8000xi32, #tpu.memory_space<hbm>>
        %dma_wait3A_22 = tpu.memref_slice %arg4[%multiple_of3A] : memref<320000xi32, #tpu.memory_space<hbm>> -> memref<8000xi32, #tpu.memory_space<hbm>>
        tpu.wait_dma2 semaphore(%run_scoped3A : memref<!tpu.dma_semaphore, #tpu.memory_space<semaphore_mem>>) src(%dma_wait3A_22 : memref<8000xi32, #tpu.memory_space<hbm>>) dst(%arg10 : memref<8000xi32, #tpu.memory_space<vmem>>)
        tpu.yield
      }) : () -> ()
      "tpu.region"() ({
        %run_scoped3A = tpu.sem_alloc : memref<!tpu.dma_semaphore, #tpu.memory_space<semaphore_mem>>
        %dma_start3A = tpu.memref_slice %arg5[%multiple_of3A] : memref<320000xf32, #tpu.memory_space<hbm>> -> memref<8000xf32, #tpu.memory_space<hbm>>
        %dma_start3A_21 = tpu.memref_slice %arg5[%multiple_of3A] : memref<320000xf32, #tpu.memory_space<hbm>> -> memref<8000xf32, #tpu.memory_space<hbm>>
        tpu.enqueue_dma source(%dma_start3A_21 : memref<8000xf32, #tpu.memory_space<hbm>>) target(%arg11 : memref<8000xf32, #tpu.memory_space<vmem>>) target_semaphore(%run_scoped3A : memref<!tpu.dma_semaphore, #tpu.memory_space<semaphore_mem>>)
        %dma_wait3A = tpu.memref_slice %arg5[%multiple_of3A] : memref<320000xf32, #tpu.memory_space<hbm>> -> memref<8000xf32, #tpu.memory_space<hbm>>
        %dma_wait3A_22 = tpu.memref_slice %arg5[%multiple_of3A] : memref<320000xf32, #tpu.memory_space<hbm>> -> memref<8000xf32, #tpu.memory_space<hbm>>
        tpu.wait_dma2 semaphore(%run_scoped3A : memref<!tpu.dma_semaphore, #tpu.memory_space<semaphore_mem>>) src(%dma_wait3A_22 : memref<8000xf32, #tpu.memory_space<hbm>>) dst(%arg11 : memref<8000xf32, #tpu.memory_space<vmem>>)
        tpu.yield
      }) : () -> ()
      %scan3A_15 = arith.constant 0 : i32
      %scan3A_16 = arith.constant 0 : i32
      %scan3A_17 = arith.constant 500 : i32
      %scan3A_18 = arith.addi %scan3A_16, %scan3A_17 : i32
      %scan3A_19 = arith.constant 1 : i32
      scf.for %scan3A_21 = %scan3A_16 to %scan3A_18 step %scan3A_19  : i32 {
        %mul3A_22 = arith.constant 16 : i32
        %mul3A_23 = arith.muli %scan3A_21, %mul3A_22 : i32
        %get3A = arith.index_cast %mul3A_23 : i32 to index
        %get3A_24 = tpu.vector_load %arg9[%get3A] {strides = array<i32>} : memref<8000xi32, #tpu.memory_space<vmem>>, vector<16xi32>,
        %mul3A_25 = arith.constant 16 : i32
        %mul3A_26 = arith.muli %scan3A_21, %mul3A_25 : i32
        %get3A_27 = arith.index_cast %mul3A_26 : i32 to index
        %get3A_28 = tpu.vector_load %arg10[%get3A_27] {strides = array<i32>} : memref<8000xi32, #tpu.memory_space<vmem>>, vector<16xi32>,
        %mul3A_29 = arith.constant 16 : i32
        %mul3A_30 = arith.muli %scan3A_21, %mul3A_29 : i32
        %get3A_31 = arith.index_cast %mul3A_30 : i32 to index
        %get3A_32 = tpu.vector_load %arg11[%get3A_31] {strides = array<i32>} : memref<8000xf32, #tpu.memory_space<vmem>>, vector<16xf32>,
        %gather3A = tpu.vector_load_idx %arg7[%get3A_24] : memref<10000xf32, #tpu.memory_space<vmem>>[vector<16xi32>], vector<16xf32>,
        %mul3A_33 = arith.mulf %gather3A, %get3A_32 : vector<16xf32>
        tpu.vector_store_idx %arg8[%get3A_28], %mul3A_33 {add = true} : memref<10000xf32, #tpu.memory_space<vmem>>[vector<16xi32>], vector<16xf32>,
      }
      %scan3A_20 = arith.constant 500 : i32
    }
    %scan3A_11 = arith.constant 40 : i32
    "tpu.region"() ({
      %run_scoped3A = tpu.sem_alloc : memref<!tpu.dma_semaphore, #tpu.memory_space<semaphore_mem>>
      %dma_start3A = arith.constant 0 : i32
      %dma_start3A_12 = tpu.memref_slice %arg6[%add3A, %dma_start3A] : memref<32x10000xf32, #tpu.memory_space<hbm>> -> memref<1x10000xf32, #tpu.memory_space<hbm>>
      %dma_start3A_13 = tpu.memref_squeeze %dma_start3A_12 : memref<1x10000xf32, #tpu.memory_space<hbm>> -> memref<10000xf32, #tpu.memory_space<hbm>>
      %dma_start3A_14 = arith.constant 0 : i32
      %dma_start3A_15 = tpu.memref_slice %arg6[%add3A, %dma_start3A_14] : memref<32x10000xf32, #tpu.memory_space<hbm>> -> memref<1x10000xf32, #tpu.memory_space<hbm>>
      %dma_start3A_16 = tpu.memref_squeeze %dma_start3A_15 : memref<1x10000xf32, #tpu.memory_space<hbm>> -> memref<10000xf32, #tpu.memory_space<hbm>>
      tpu.enqueue_dma source(%arg8 : memref<10000xf32, #tpu.memory_space<vmem>>) target(%dma_start3A_16 : memref<10000xf32, #tpu.memory_space<hbm>>) target_semaphore(%run_scoped3A : memref<!tpu.dma_semaphore, #tpu.memory_space<semaphore_mem>>)
      %dma_wait3A = arith.constant 0 : i32
      %dma_wait3A_17 = tpu.memref_slice %arg6[%add3A, %dma_wait3A] : memref<32x10000xf32, #tpu.memory_space<hbm>> -> memref<1x10000xf32, #tpu.memory_space<hbm>>
      %dma_wait3A_18 = tpu.memref_squeeze %dma_wait3A_17 : memref<1x10000xf32, #tpu.memory_space<hbm>> -> memref<10000xf32, #tpu.memory_space<hbm>>
      %dma_wait3A_19 = arith.constant 0 : i32
      %dma_wait3A_20 = tpu.memref_slice %arg6[%add3A, %dma_wait3A_19] : memref<32x10000xf32, #tpu.memory_space<hbm>> -> memref<1x10000xf32, #tpu.memory_space<hbm>>
      %dma_wait3A_21 = tpu.memref_squeeze %dma_wait3A_20 : memref<1x10000xf32, #tpu.memory_space<hbm>> -> memref<10000xf32, #tpu.memory_space<hbm>>
      tpu.wait_dma2 semaphore(%run_scoped3A : memref<!tpu.dma_semaphore, #tpu.memory_space<semaphore_mem>>) src(%arg8 : memref<10000xf32, #tpu.memory_space<vmem>>) dst(%dma_wait3A_21 : memref<10000xf32, #tpu.memory_space<hbm>>)
      tpu.yield
    }) : () -> ()
    return
  }
}

module attributes {stable_mosaic.version = 14 : i64} {
  func.func @_tc_pre_body(%arg0: memref<128x10000xf32, #tpu.memory_space<vmem>>, %arg1: memref<32x128xf32, #tpu.memory_space<vmem>>, %arg2: memref<32x10000xf32, #tpu.memory_space<vmem>>, %arg3: memref<32x10000xf32, #tpu.memory_space<vmem>>, %arg4: memref<32x10000xf32, #tpu.memory_space<vmem>>, %arg5: memref<32x10000xf32, #tpu.memory_space<vmem>>, %arg6: memref<1x10000xf32, #tpu.memory_space<vmem>>, %arg7: memref<32x10000xf32, #tpu.memory_space<vmem>>) attributes {dimension_semantics = [], scalar_prefetch = 0 : i64, scratch_operands = 0 : i64, tpu.core_type = #tpu.core_type<tc>} {
    %get3A = arith.constant 0 : index
    %get3A_0 = arith.constant 0 : index
    %get3A_1 = vector.load %arg1[%get3A, %get3A_0] : memref<32x128xf32, #tpu.memory_space<vmem>>, vector<32x128xf32>
    %get3A_2 = arith.constant 0 : index
    %get3A_3 = arith.constant 0 : index
    %get3A_4 = vector.load %arg0[%get3A_2, %get3A_3] : memref<128x10000xf32, #tpu.memory_space<vmem>>, vector<128x10000xf32>
    %dot_general3A = arith.constant dense<0.000000e+00> : vector<32x10000xf32>
    %dot_general3A_5 = tpu.matmul %get3A_1, %get3A_4, %dot_general3A {dimension_numbers = #tpu.dot_dimension_numbers<[1], [0], [0], [1], [0, 0, 1, 1], [], []>, transpose_lhs_hint = false} : vector<32x128xf32>, vector<128x10000xf32>, vector<32x10000xf32> -> vector<32x10000xf32>
    %swap3A = arith.constant 0 : index
    %swap3A_6 = arith.constant 0 : index
    %swap3A_7 = vector.load %arg5[%swap3A, %swap3A_6] : memref<32x10000xf32, #tpu.memory_space<vmem>>, vector<32x10000xf32>
    tpu.vector_store %arg5[%swap3A, %swap3A_6], %dot_general3A_5 {strides = array<i32>} : memref<32x10000xf32, #tpu.memory_space<vmem>>, vector<32x10000xf32>,
    %get3A_8 = arith.constant 0 : index
    %get3A_9 = arith.constant 0 : index
    %get3A_10 = vector.load %arg2[%get3A_8, %get3A_9] : memref<32x10000xf32, #tpu.memory_space<vmem>>, vector<32x10000xf32>
    %reduce_sum3A = arith.constant dense<0.000000e+00> : vector<10000xf32>
    %reduce_sum3A_11 = vector.multi_reduction <add>, %get3A_10, %reduce_sum3A [0] : vector<32x10000xf32> to vector<10000xf32>
    %broadcast_in_dim3A = vector.shape_cast %reduce_sum3A_11 : vector<10000xf32> to vector<1x10000xf32>
    %max3A = arith.constant 1.000000e+00 : f32
    %max3A_12 = vector.broadcast %max3A : f32 to vector<1x10000xf32>
    %max3A_13 = arith.maximumf %broadcast_in_dim3A, %max3A_12 : vector<1x10000xf32>
    %div3A = arith.constant 1.000000e+00 : f32
    %div3A_14 = vector.broadcast %div3A : f32 to vector<1x10000xf32>
    %div3A_15 = arith.divf %div3A_14, %max3A_13 : vector<1x10000xf32>
    %swap3A_16 = arith.constant 0 : index
    %swap3A_17 = arith.constant 0 : index
    %swap3A_18 = vector.load %arg6[%swap3A_16, %swap3A_17] : memref<1x10000xf32, #tpu.memory_space<vmem>>, vector<1x10000xf32>
    tpu.vector_store %arg6[%swap3A_16, %swap3A_17], %div3A_15 {strides = array<i32>} : memref<1x10000xf32, #tpu.memory_space<vmem>>, vector<1x10000xf32>,
    %get3A_19 = arith.constant 0 : index
    %get3A_20 = arith.constant 0 : index
    %get3A_21 = vector.load %arg3[%get3A_19, %get3A_20] : memref<32x10000xf32, #tpu.memory_space<vmem>>, vector<32x10000xf32>
    %get3A_22 = arith.constant 0 : index
    %get3A_23 = arith.constant 0 : index
    %get3A_24 = vector.load %arg4[%get3A_22, %get3A_23] : memref<32x10000xf32, #tpu.memory_space<vmem>>, vector<32x10000xf32>
    %mul3A = arith.mulf %get3A_21, %get3A_24 : vector<32x10000xf32>
    %swap3A_25 = arith.constant 0 : index
    %swap3A_26 = arith.constant 0 : index
    %swap3A_27 = vector.load %arg7[%swap3A_25, %swap3A_26] : memref<32x10000xf32, #tpu.memory_space<vmem>>, vector<32x10000xf32>
    tpu.vector_store %arg7[%swap3A_25, %swap3A_26], %mul3A {strides = array<i32>} : memref<32x10000xf32, #tpu.memory_space<vmem>>, vector<32x10000xf32>,
    return
  }
}

module attributes {stable_mosaic.version = 14 : i64} {
  func.func @_tc_layer_body(%arg0: memref<128x10000xf32, #tpu.memory_space<vmem>>, %arg1: memref<32x10000xf32, #tpu.memory_space<vmem>>, %arg2: memref<1x10000xf32, #tpu.memory_space<vmem>>, %arg3: memref<32x128xf32, #tpu.memory_space<vmem>>, %arg4: memref<32x1xf32, #tpu.memory_space<vmem>>, %arg5: memref<32x32xf32, #tpu.memory_space<vmem>>, %arg6: memref<32x10000xf32, #tpu.memory_space<vmem>>, %arg7: memref<32x10000xf32, #tpu.memory_space<vmem>>) attributes {dimension_semantics = [], scalar_prefetch = 0 : i64, scratch_operands = 0 : i64, tpu.core_type = #tpu.core_type<tc>} {
    %get3A = arith.constant 0 : index
    %get3A_0 = arith.constant 0 : index
    %get3A_1 = vector.load %arg3[%get3A, %get3A_0] : memref<32x128xf32, #tpu.memory_space<vmem>>, vector<32x128xf32>
    %get3A_2 = arith.constant 0 : index
    %get3A_3 = arith.constant 0 : index
    %get3A_4 = vector.load %arg0[%get3A_2, %get3A_3] : memref<128x10000xf32, #tpu.memory_space<vmem>>, vector<128x10000xf32>
    %dot_general3A = arith.constant dense<0.000000e+00> : vector<32x10000xf32>
    %dot_general3A_5 = tpu.matmul %get3A_1, %get3A_4, %dot_general3A {dimension_numbers = #tpu.dot_dimension_numbers<[1], [0], [0], [1], [0, 0, 1, 1], [], []>, transpose_lhs_hint = false} : vector<32x128xf32>, vector<128x10000xf32>, vector<32x10000xf32> -> vector<32x10000xf32>
    %get3A_6 = arith.constant 0 : index
    %get3A_7 = arith.constant 0 : index
    %get3A_8 = vector.load %arg4[%get3A_6, %get3A_7] : memref<32x1xf32, #tpu.memory_space<vmem>>, vector<32x1xf32>
    %add3A = vector.broadcast %get3A_8 : vector<32x1xf32> to vector<32x10000xf32>
    %add3A_9 = arith.addf %dot_general3A_5, %add3A : vector<32x10000xf32>
    %get3A_10 = arith.constant 0 : index
    %get3A_11 = arith.constant 0 : index
    %get3A_12 = vector.load %arg1[%get3A_10, %get3A_11] : memref<32x10000xf32, #tpu.memory_space<vmem>>, vector<32x10000xf32>
    %get3A_13 = arith.constant 0 : index
    %get3A_14 = arith.constant 0 : index
    %get3A_15 = vector.load %arg2[%get3A_13, %get3A_14] : memref<1x10000xf32, #tpu.memory_space<vmem>>, vector<1x10000xf32>
    %mul3A = vector.broadcast %get3A_15 : vector<1x10000xf32> to vector<32x10000xf32>
    %mul3A_16 = arith.mulf %get3A_12, %mul3A : vector<32x10000xf32>
    %add3A_17 = arith.addf %add3A_9, %mul3A_16 : vector<32x10000xf32>
    %tanh3A = math.tanh %add3A_17 : vector<32x10000xf32>
    %swap3A = arith.constant 0 : index
    %swap3A_18 = arith.constant 0 : index
    %swap3A_19 = vector.load %arg6[%swap3A, %swap3A_18] : memref<32x10000xf32, #tpu.memory_space<vmem>>, vector<32x10000xf32>
    tpu.vector_store %arg6[%swap3A, %swap3A_18], %tanh3A {strides = array<i32>} : memref<32x10000xf32, #tpu.memory_space<vmem>>, vector<32x10000xf32>,
    %get3A_20 = arith.constant 0 : index
    %get3A_21 = arith.constant 0 : index
    %get3A_22 = vector.load %arg5[%get3A_20, %get3A_21] : memref<32x32xf32, #tpu.memory_space<vmem>>, vector<32x32xf32>
    %dot_general3A_23 = arith.constant dense<0.000000e+00> : vector<32x10000xf32>
    %dot_general3A_24 = tpu.matmul %get3A_22, %tanh3A, %dot_general3A_23 {dimension_numbers = #tpu.dot_dimension_numbers<[1], [0], [0], [1], [0, 0, 1, 1], [], []>, transpose_lhs_hint = false} : vector<32x32xf32>, vector<32x10000xf32>, vector<32x10000xf32> -> vector<32x10000xf32>
    %swap3A_25 = arith.constant 0 : index
    %swap3A_26 = arith.constant 0 : index
    %swap3A_27 = vector.load %arg7[%swap3A_25, %swap3A_26] : memref<32x10000xf32, #tpu.memory_space<vmem>>, vector<32x10000xf32>
    tpu.vector_store %arg7[%swap3A_25, %swap3A_26], %dot_general3A_24 {strides = array<i32>} : memref<32x10000xf32, #tpu.memory_space<vmem>>, vector<32x10000xf32>,
    return
  }
}

module attributes {stable_mosaic.version = 14 : i64} {
  func.func @_tc_layer_body(%arg0: memref<32x10000xf32, #tpu.memory_space<vmem>>, %arg1: memref<32x10000xf32, #tpu.memory_space<vmem>>, %arg2: memref<1x10000xf32, #tpu.memory_space<vmem>>, %arg3: memref<32x32xf32, #tpu.memory_space<vmem>>, %arg4: memref<32x1xf32, #tpu.memory_space<vmem>>, %arg5: memref<32x32xf32, #tpu.memory_space<vmem>>, %arg6: memref<32x10000xf32, #tpu.memory_space<vmem>>, %arg7: memref<32x10000xf32, #tpu.memory_space<vmem>>) attributes {dimension_semantics = [], scalar_prefetch = 0 : i64, scratch_operands = 0 : i64, tpu.core_type = #tpu.core_type<tc>} {
    %get3A = arith.constant 0 : index
    %get3A_0 = arith.constant 0 : index
    %get3A_1 = vector.load %arg3[%get3A, %get3A_0] : memref<32x32xf32, #tpu.memory_space<vmem>>, vector<32x32xf32>
    %get3A_2 = arith.constant 0 : index
    %get3A_3 = arith.constant 0 : index
    %get3A_4 = vector.load %arg0[%get3A_2, %get3A_3] : memref<32x10000xf32, #tpu.memory_space<vmem>>, vector<32x10000xf32>
    %dot_general3A = arith.constant dense<0.000000e+00> : vector<32x10000xf32>
    %dot_general3A_5 = tpu.matmul %get3A_1, %get3A_4, %dot_general3A {dimension_numbers = #tpu.dot_dimension_numbers<[1], [0], [0], [1], [0, 0, 1, 1], [], []>, transpose_lhs_hint = false} : vector<32x32xf32>, vector<32x10000xf32>, vector<32x10000xf32> -> vector<32x10000xf32>
    %get3A_6 = arith.constant 0 : index
    %get3A_7 = arith.constant 0 : index
    %get3A_8 = vector.load %arg4[%get3A_6, %get3A_7] : memref<32x1xf32, #tpu.memory_space<vmem>>, vector<32x1xf32>
    %add3A = vector.broadcast %get3A_8 : vector<32x1xf32> to vector<32x10000xf32>
    %add3A_9 = arith.addf %dot_general3A_5, %add3A : vector<32x10000xf32>
    %get3A_10 = arith.constant 0 : index
    %get3A_11 = arith.constant 0 : index
    %get3A_12 = vector.load %arg1[%get3A_10, %get3A_11] : memref<32x10000xf32, #tpu.memory_space<vmem>>, vector<32x10000xf32>
    %get3A_13 = arith.constant 0 : index
    %get3A_14 = arith.constant 0 : index
    %get3A_15 = vector.load %arg2[%get3A_13, %get3A_14] : memref<1x10000xf32, #tpu.memory_space<vmem>>, vector<1x10000xf32>
    %mul3A = vector.broadcast %get3A_15 : vector<1x10000xf32> to vector<32x10000xf32>
    %mul3A_16 = arith.mulf %get3A_12, %mul3A : vector<32x10000xf32>
    %add3A_17 = arith.addf %add3A_9, %mul3A_16 : vector<32x10000xf32>
    %tanh3A = math.tanh %add3A_17 : vector<32x10000xf32>
    %swap3A = arith.constant 0 : index
    %swap3A_18 = arith.constant 0 : index
    %swap3A_19 = vector.load %arg6[%swap3A, %swap3A_18] : memref<32x10000xf32, #tpu.memory_space<vmem>>, vector<32x10000xf32>
    tpu.vector_store %arg6[%swap3A, %swap3A_18], %tanh3A {strides = array<i32>} : memref<32x10000xf32, #tpu.memory_space<vmem>>, vector<32x10000xf32>,
    %get3A_20 = arith.constant 0 : index
    %get3A_21 = arith.constant 0 : index
    %get3A_22 = vector.load %arg5[%get3A_20, %get3A_21] : memref<32x32xf32, #tpu.memory_space<vmem>>, vector<32x32xf32>
    %dot_general3A_23 = arith.constant dense<0.000000e+00> : vector<32x10000xf32>
    %dot_general3A_24 = tpu.matmul %get3A_22, %tanh3A, %dot_general3A_23 {dimension_numbers = #tpu.dot_dimension_numbers<[1], [0], [0], [1], [0, 0, 1, 1], [], []>, transpose_lhs_hint = false} : vector<32x32xf32>, vector<32x10000xf32>, vector<32x10000xf32> -> vector<32x10000xf32>
    %swap3A_25 = arith.constant 0 : index
    %swap3A_26 = arith.constant 0 : index
    %swap3A_27 = vector.load %arg7[%swap3A_25, %swap3A_26] : memref<32x10000xf32, #tpu.memory_space<vmem>>, vector<32x10000xf32>
    tpu.vector_store %arg7[%swap3A_25, %swap3A_26], %dot_general3A_24 {strides = array<i32>} : memref<32x10000xf32, #tpu.memory_space<vmem>>, vector<32x10000xf32>,
    return
  }
}

module attributes {stable_mosaic.version = 14 : i64} {
  func.func @_tc_last_body(%arg0: memref<32x10000xf32, #tpu.memory_space<vmem>>, %arg1: memref<32x10000xf32, #tpu.memory_space<vmem>>, %arg2: memref<1x10000xf32, #tpu.memory_space<vmem>>, %arg3: memref<32x32xf32, #tpu.memory_space<vmem>>, %arg4: memref<32x1xf32, #tpu.memory_space<vmem>>, %arg5: memref<32x10000xf32, #tpu.memory_space<vmem>>, %arg6: memref<32x10000xf32, #tpu.memory_space<vmem>>, %arg7: memref<32x10000xf32, #tpu.memory_space<vmem>>, %arg8: memref<1x10000xf32, #tpu.memory_space<vmem>>, %arg9: memref<128x10000xf32, #tpu.memory_space<vmem>>) attributes {dimension_semantics = [], scalar_prefetch = 0 : i64, scratch_operands = 0 : i64, tpu.core_type = #tpu.core_type<tc>} {
    %get3A = arith.constant 0 : index
    %get3A_0 = arith.constant 0 : index
    %get3A_1 = vector.load %arg3[%get3A, %get3A_0] : memref<32x32xf32, #tpu.memory_space<vmem>>, vector<32x32xf32>
    %get3A_2 = arith.constant 0 : index
    %get3A_3 = arith.constant 0 : index
    %get3A_4 = vector.load %arg0[%get3A_2, %get3A_3] : memref<32x10000xf32, #tpu.memory_space<vmem>>, vector<32x10000xf32>
    %dot_general3A = arith.constant dense<0.000000e+00> : vector<32x10000xf32>
    %dot_general3A_5 = tpu.matmul %get3A_1, %get3A_4, %dot_general3A {dimension_numbers = #tpu.dot_dimension_numbers<[1], [0], [0], [1], [0, 0, 1, 1], [], []>, transpose_lhs_hint = false} : vector<32x32xf32>, vector<32x10000xf32>, vector<32x10000xf32> -> vector<32x10000xf32>
    %get3A_6 = arith.constant 0 : index
    %get3A_7 = arith.constant 0 : index
    %get3A_8 = vector.load %arg4[%get3A_6, %get3A_7] : memref<32x1xf32, #tpu.memory_space<vmem>>, vector<32x1xf32>
    %add3A = vector.broadcast %get3A_8 : vector<32x1xf32> to vector<32x10000xf32>
    %add3A_9 = arith.addf %dot_general3A_5, %add3A : vector<32x10000xf32>
    %get3A_10 = arith.constant 0 : index
    %get3A_11 = arith.constant 0 : index
    %get3A_12 = vector.load %arg1[%get3A_10, %get3A_11] : memref<32x10000xf32, #tpu.memory_space<vmem>>, vector<32x10000xf32>
    %get3A_13 = arith.constant 0 : index
    %get3A_14 = arith.constant 0 : index
    %get3A_15 = vector.load %arg2[%get3A_13, %get3A_14] : memref<1x10000xf32, #tpu.memory_space<vmem>>, vector<1x10000xf32>
    %mul3A = vector.broadcast %get3A_15 : vector<1x10000xf32> to vector<32x10000xf32>
    %mul3A_16 = arith.mulf %get3A_12, %mul3A : vector<32x10000xf32>
    %add3A_17 = arith.addf %add3A_9, %mul3A_16 : vector<32x10000xf32>
    %tanh3A = math.tanh %add3A_17 : vector<32x10000xf32>
    %get3A_18 = arith.constant 0 : index
    %get3A_19 = arith.constant 0 : index
    %get3A_20 = vector.load %arg5[%get3A_18, %get3A_19] : memref<32x10000xf32, #tpu.memory_space<vmem>>, vector<32x10000xf32>
    %get3A_21 = arith.constant 0 : index
    %get3A_22 = arith.constant 0 : index
    %get3A_23 = vector.load %arg6[%get3A_21, %get3A_22] : memref<32x10000xf32, #tpu.memory_space<vmem>>, vector<32x10000xf32>
    %get3A_24 = arith.constant 0 : index
    %get3A_25 = arith.constant 0 : index
    %get3A_26 = vector.load %arg7[%get3A_24, %get3A_25] : memref<32x10000xf32, #tpu.memory_space<vmem>>, vector<32x10000xf32>
    %concatenate3A = tpu.concatenate %get3A_20, %get3A_23, %get3A_26, %tanh3A in 0 : vector<32x10000xf32>, vector<32x10000xf32>, vector<32x10000xf32>, vector<32x10000xf32> -> vector<128x10000xf32>
    %get3A_27 = arith.constant 0 : index
    %get3A_28 = arith.constant 0 : index
    %get3A_29 = vector.load %arg8[%get3A_27, %get3A_28] : memref<1x10000xf32, #tpu.memory_space<vmem>>, vector<1x10000xf32>
    %mul3A_30 = vector.broadcast %get3A_29 : vector<1x10000xf32> to vector<128x10000xf32>
    %mul3A_31 = arith.mulf %concatenate3A, %mul3A_30 : vector<128x10000xf32>
    %swap3A = arith.constant 0 : index
    %swap3A_32 = arith.constant 0 : index
    %swap3A_33 = vector.load %arg9[%swap3A, %swap3A_32] : memref<128x10000xf32, #tpu.memory_space<vmem>>, vector<128x10000xf32>
    tpu.vector_store %arg9[%swap3A, %swap3A_32], %mul3A_31 {strides = array<i32>} : memref<128x10000xf32, #tpu.memory_space<vmem>>, vector<128x10000xf32>,
    return
  }
}

module attributes {stable_mosaic.version = 14 : i64} {
  func.func @_tc_head_body(%arg0: memref<128x5000xf32, #tpu.memory_space<vmem>>, %arg1: memref<128x5000xf32, #tpu.memory_space<vmem>>, %arg2: memref<128x128xf32, #tpu.memory_space<vmem>>, %arg3: memref<128x128xf32, #tpu.memory_space<vmem>>, %arg4: memref<128x1xf32, #tpu.memory_space<vmem>>, %arg5: memref<1x128xf32, #tpu.memory_space<vmem>>, %arg6: memref<1x1xf32, #tpu.memory_space<vmem>>, %arg7: memref<1x5000xf32, #tpu.memory_space<vmem>>) attributes {dimension_semantics = [], scalar_prefetch = 0 : i64, scratch_operands = 0 : i64, tpu.core_type = #tpu.core_type<tc>} {
    %get3A = arith.constant 0 : index
    %get3A_0 = arith.constant 0 : index
    %get3A_1 = vector.load %arg2[%get3A, %get3A_0] : memref<128x128xf32, #tpu.memory_space<vmem>>, vector<128x128xf32>
    %get3A_2 = arith.constant 0 : index
    %get3A_3 = arith.constant 0 : index
    %get3A_4 = vector.load %arg0[%get3A_2, %get3A_3] : memref<128x5000xf32, #tpu.memory_space<vmem>>, vector<128x5000xf32>
    %dot_general3A = arith.constant dense<0.000000e+00> : vector<128x5000xf32>
    %dot_general3A_5 = tpu.matmul %get3A_1, %get3A_4, %dot_general3A {dimension_numbers = #tpu.dot_dimension_numbers<[1], [0], [0], [1], [0, 0, 1, 1], [], []>, transpose_lhs_hint = false} : vector<128x128xf32>, vector<128x5000xf32>, vector<128x5000xf32> -> vector<128x5000xf32>
    %get3A_6 = arith.constant 0 : index
    %get3A_7 = arith.constant 0 : index
    %get3A_8 = vector.load %arg3[%get3A_6, %get3A_7] : memref<128x128xf32, #tpu.memory_space<vmem>>, vector<128x128xf32>
    %get3A_9 = arith.constant 0 : index
    %get3A_10 = arith.constant 0 : index
    %get3A_11 = vector.load %arg1[%get3A_9, %get3A_10] : memref<128x5000xf32, #tpu.memory_space<vmem>>, vector<128x5000xf32>
    %dot_general3A_12 = arith.constant dense<0.000000e+00> : vector<128x5000xf32>
    %dot_general3A_13 = tpu.matmul %get3A_8, %get3A_11, %dot_general3A_12 {dimension_numbers = #tpu.dot_dimension_numbers<[1], [0], [0], [1], [0, 0, 1, 1], [], []>, transpose_lhs_hint = false} : vector<128x128xf32>, vector<128x5000xf32>, vector<128x5000xf32> -> vector<128x5000xf32>
    %add3A = arith.addf %dot_general3A_5, %dot_general3A_13 : vector<128x5000xf32>
    %get3A_14 = arith.constant 0 : index
    %get3A_15 = arith.constant 0 : index
    %get3A_16 = vector.load %arg4[%get3A_14, %get3A_15] : memref<128x1xf32, #tpu.memory_space<vmem>>, vector<128x1xf32>
    %add3A_17 = vector.broadcast %get3A_16 : vector<128x1xf32> to vector<128x5000xf32>
    %add3A_18 = arith.addf %add3A, %add3A_17 : vector<128x5000xf32>
    %max3A = arith.constant 0.000000e+00 : f32
    %max3A_19 = vector.broadcast %max3A : f32 to vector<128x5000xf32>
    %max3A_20 = arith.maximumf %add3A_18, %max3A_19 : vector<128x5000xf32>
    %get3A_21 = arith.constant 0 : index
    %get3A_22 = arith.constant 0 : index
    %get3A_23 = vector.load %arg5[%get3A_21, %get3A_22] : memref<1x128xf32, #tpu.memory_space<vmem>>, vector<1x128xf32>
    %dot_general3A_24 = arith.constant dense<0.000000e+00> : vector<1x5000xf32>
    %dot_general3A_25 = tpu.matmul %get3A_23, %max3A_20, %dot_general3A_24 {dimension_numbers = #tpu.dot_dimension_numbers<[1], [0], [0], [1], [0, 0, 1, 1], [], []>, transpose_lhs_hint = false} : vector<1x128xf32>, vector<128x5000xf32>, vector<1x5000xf32> -> vector<1x5000xf32>
    %get3A_26 = arith.constant 0 : index
    %get3A_27 = arith.constant 0 : index
    %get3A_28 = vector.load %arg6[%get3A_26, %get3A_27] : memref<1x1xf32, #tpu.memory_space<vmem>>, vector<1x1xf32>
    %add3A_29 = vector.broadcast %get3A_28 : vector<1x1xf32> to vector<1x5000xf32>
    %add3A_30 = arith.addf %dot_general3A_25, %add3A_29 : vector<1x5000xf32>
    %logistic3A = arith.negf %add3A_30 : vector<1x5000xf32>
    %logistic3A_31 = math.exp %logistic3A : vector<1x5000xf32>
    %logistic3A_32 = arith.constant 1.000000e+00 : f32
    %logistic3A_33 = vector.broadcast %logistic3A_32 : f32 to vector<1x5000xf32>
    %logistic3A_34 = arith.addf %logistic3A_33, %logistic3A_31 : vector<1x5000xf32>
    %logistic3A_35 = arith.divf %logistic3A_33, %logistic3A_34 : vector<1x5000xf32>
    %swap3A = arith.constant 0 : index
    %swap3A_36 = arith.constant 0 : index
    %swap3A_37 = vector.load %arg7[%swap3A, %swap3A_36] : memref<1x5000xf32, #tpu.memory_space<vmem>>, vector<1x5000xf32>
    tpu.vector_store %arg7[%swap3A, %swap3A_36], %logistic3A_35 {strides = array<i32>} : memref<1x5000xf32, #tpu.memory_space<vmem>>, vector<1x5000xf32>,
    return
  }
}

</mosaic_0001>

<sc_bundles>
// kernel: kernel.13.cloned.1.call-start
scs
__scs_entry_jumppad:
0x0: {  	(pc) =	sbr.rel $0x88, $3  }
0x1: {  	(tag) =	ssettag $0x0;
	lr =	simm.s32 $0x1  }
0x2: {  	[smem:$0x3F88] =	sst lr;
	_ =	strace $0xD0000000  }
0x3: {  	_ = 	snop  }
0x4: {  	_ = 	snop  }
0x5: {  	_ = 	snop  }
0x6: {  	_ = 	snop  }
0x7: {  	_ = 	snop  }
__scs_overlays_trampoline_lowered:
0x8: {  	[smem:$0x3F97] =	sst s0  }
0x9: {  	[smem:$0x3F98] =	sst s1  }
0xa: {  	[smem:$0x3F99] =	sst s2  }
0xb: {  	[smem:$0x3F9A] =	sst s3  }
0xc: {  	[smem:$0x3F9B] =	sst s4  }
0xd: {  	[smem:$0x3F9C] =	sst s5  }
0xe: {  	[smem:$0x3F9D] =	sst s6  }
0xf: {  	[smem:$0x3F9E] =	sst s7  }
0x10: {  	[smem:$0x3F9F] =	sst s8  }
0x11: {  	[smem:$0x3FA0] =	sst s9;
	s0 =	simm.s32 @!p0 $0x0  }
0x12: {  	s1 =	sld [smem:$0x3F86];
	s0 =	simm.s32 @p0 $0x1  }
0x13: {  	[smem:$0x3FA1] =	sst s0;
	s0 =	simm.s32 @!p1 $0x0  }
0x14: {  	s2 =	sld [smem:$0x3F85];
	s0 =	simm.s32 @p1 $0x1  }
0x15: {  	[smem:$0x3FA2] =	sst s0;
	s0 =	simm.s32 @!p2 $0x0  }
0x16: {  	s3 =	sld [smem:$0x3FDB];
	s0 =	simm.s32 @p2 $0x1  }
0x17: {  	s4 =	simm.s32 $0x1BF5;
	[smem:$0x3FA4] =	sst s0  }
0x18: {  	s0 =	sld [smem:$0x3F87];
	_ =	swait.ge [sflag:s4], $0x0  }
0x19: {  	s7 =	sld [smem:$0x3F88]  }
0x1a: {  	s8 =	sadd.s32 $0xFFFFE003, lr  }
0x1b: {  	s9 =	sadd.s32 $0xFFFFFEF7, lr;
	s5 =	simm.s32 $0xFFFFFFFF;
	p2 =	slt.u32 s8, $0xFFFFF086  }
0x1c: {  	p1 =	slt.u32 s9, $0xF7A;
	s5 =	simm.s32 @!p2 $0x0  }
0x1d: {  	s5 =	simm.s32 @p1 $0x1;
	p0 =	seq.s32 s7, s2  }
0x1e: {  	s7 =	smul.u32 @!p0 $0xF7A, s2;
	p2 =	seq.s32 @!p0 s5, $0x0  }
0x1f: {  	s9 =	smul.u32 $0xF7A, s1;
	s8 =	simm.s32 @!p0 $0x1BF5;
	p2 =	por !p2, p0  }
0x20: {  	[sflag:s8] =	ssyncset.s32 @!p0 $0xFFFFF086;
	s6 =	sadd.s32 @!p0 s3, s7;
	s7 =	simm.s32 @!p0 $0x108  }
0x21: {  	s3 =	sadd.s32 s3, s9;
	s6 =	sadd.s32 @!p0 $0x88, s6;
	s7 =	simm.s32 @p2 $0x1082  }
0x22: {  	[simem:s7], [sflag:s8] =	dma.local @!p0 [hbm:s6], $0xF7A  }
0x23: {  	s9 =	sor.u32 $0xD0000000, s2;
	s6 =	simm.s32 $0x108;
	_ =	swait.ge @!p0 [sflag:s8], $0x0  }
0x24: {  	s3 =	sadd.s32 $0x88, s3;
	s6 =	simm.s32 @!p1 $0x1082;
	[sflag:s4] =	ssyncset.s32 $0xFFFFF086  }
0x25: {  	[simem:s6], [sflag:s4] =	dma.local [hbm:s3], $0xF7A  }
0x26: {  	[smem:$0x3F88] =	sst s1;
	(tag) =	ssettag s2;
	_ =	strace s9  }
0x27: {  	s1 =	sld [smem:$0x3F98]  }
0x28: {  	s2 =	sld [smem:$0x3F99]  }
0x29: {  	s4 =	sld [smem:$0x3F9B]  }
0x2a: {  	p0 =	seq.s32 s5, $0x0;
	s5 =	sld [smem:$0x3F9C]  }
0x2b: {  	s6 =	sld [smem:$0x3F9D]  }
0x2c: {  	s7 =	sld [smem:$0x3F9E]  }
0x2d: {  	s3 =	simm.s32 $0x108;
	s8 =	sld [smem:$0x3F9F]  }
0x2e: {  	s3 =	simm.s32 @!p0 $0x1082;
	s9 =	sld [smem:$0x3FA0]  }
0x2f: {  	lr =	sadd.s32 s0, s3;
	s0 =	sld [smem:$0x3F97]  }
0x30: {  	s3 =	sld [smem:$0x3F9A]  }
0x31: {  	[smem:$0x3FA3] =	sst s10  }
0x32: {  	s10 =	sld [smem:$0x3FA1];
	_ =	sdelay $0x3  }
0x33: {  	p0 =	seq.s32 s10, $0x1;
	s10 =	sld [smem:$0x3FA3];
	_ =	sdelay $0x3  }
0x34: {  	[smem:$0x3FA3] =	sst s10  }
0x35: {  	s10 =	sld [smem:$0x3FA2];
	_ =	sdelay $0x3  }
0x36: {  	p1 =	seq.s32 s10, $0x1;
	s10 =	sld [smem:$0x3FA3];
	_ =	sdelay $0x3  }
0x37: {  	[smem:$0x3FA3] =	sst s10  }
0x38: {  	s10 =	sld [smem:$0x3FA4]  }
0x39: {  	_ = 	snop;
	(pc) =	sbr.ind lr, $3  }
0x3a: {  	_ = 	snop  }
0x3b: {  	_ = 	snop  }
0x3c: {  	p2 =	seq.s32 s10, $0x1;
	s10 =	sld [smem:$0x3FA3]  }
0x3d: {  	_ =	shalt  }
0x3e: {  	_ =	shalt  }
0x3f: {  	_ =	shalt  }
0x40: {  	_ =	shalt  }
0x41: {  	_ =	shalt  }
0x42: {  	_ =	shalt  }
0x43: {  	_ =	shalt  }
0x44: {  	_ =	shalt  }
0x45: {  	_ =	shalt  }
0x46: {  	_ =	shalt  }
0x47: {  	_ =	shalt  }
0x48: {  	_ =	shalt  }
0x49: {  	_ =	shalt  }
0x4a: {  	_ =	shalt  }
0x4b: {  	_ =	shalt  }
0x4c: {  	_ =	shalt  }
0x4d: {  	_ =	shalt  }
0x4e: {  	_ =	shalt  }
0x4f: {  	_ =	shalt  }
0x50: {  	_ =	shalt  }
0x51: {  	_ =	shalt  }
0x52: {  	_ =	shalt  }
0x53: {  	_ =	shalt  }
0x54: {  	_ =	shalt  }
0x55: {  	_ =	shalt  }
0x56: {  	_ =	shalt  }
0x57: {  	_ =	shalt  }
0x58: {  	_ =	shalt  }
0x59: {  	_ =	shalt  }
0x5a: {  	_ =	shalt  }
0x5b: {  	_ =	shalt  }
0x5c: {  	_ =	shalt  }
0x5d: {  	_ =	shalt  }
0x5e: {  	_ =	shalt  }
0x5f: {  	_ =	shalt  }
0x60: {  	_ =	shalt  }
0x61: {  	_ =	shalt  }
0x62: {  	_ =	shalt  }
0x63: {  	_ =	shalt  }
0x64: {  	_ =	shalt  }
0x65: {  	_ =	shalt  }
0x66: {  	_ =	shalt  }
0x67: {  	_ =	shalt  }
0x68: {  	_ =	shalt  }
0x69: {  	_ =	shalt  }
0x6a: {  	_ =	shalt  }
0x6b: {  	_ =	shalt  }
0x6c: {  	_ =	shalt  }
0x6d: {  	_ =	shalt  }
0x6e: {  	_ =	shalt  }
0x6f: {  	_ =	shalt  }
0x70: {  	_ =	shalt  }
0x71: {  	_ =	shalt  }
0x72: {  	_ =	shalt  }
0x73: {  	_ =	shalt  }
0x74: {  	_ =	shalt  }
0x75: {  	_ =	shalt  }
0x76: {  	_ =	shalt  }
0x77: {  	_ =	shalt  }
0x78: {  	_ =	shalt  }
0x79: {  	_ =	shalt  }
0x7a: {  	_ =	shalt  }
0x7b: {  	_ =	shalt  }
0x7c: {  	_ =	shalt  }
0x7d: {  	_ =	shalt  }
0x7e: {  	_ =	shalt  }
0x7f: {  	_ =	shalt  }
0x80: {  	_ =	shalt  }
0x81: {  	_ =	shalt  }
0x82: {  	_ =	shalt  }
0x83: {  	_ =	shalt  }
0x84: {  	_ =	shalt  }
0x85: {  	_ =	shalt  }
0x86: {  	_ =	shalt  }
0x87: {  	_ =	shalt  }
.Lfunc_end0:
.L_simem_size_0:
called_computation_lowered:
.L_overlay_start_0:
0x88: {  	s2 =	sld [smem:$0x3FD9]  }
0x89: {  	s3 =	sld [smem:$0x3FFE];
	_ =	sdelay $0x1  }
0x8a: {  	s1 =	srdreg.scid  }
0x8b: {  	s0 =	sand.u32 $0x1, s1  }
0x8c: {  	s16 =	sshll.u32 s0, $0xA;
	s2 =	sadd.s32 s3, s2  }
0x8d: {  	s2 =	sadd.s32 s2, s16  }
0x8e: {  	[smem:$0x3FAF] =	sst s2  }
0x8f: {  	_ = 	snop  }
0x90: {  	(tm) =	ssettm $0x1  }
0x91: {  	s17 =	sld [smem:$0x3FFB];
	_ =	sdelay $0x3  }
0x92: {  	_ =	strace s17  }
0x93: {  	s2 =	sld [smem:$0x3FFC];
	_ =	sdelay $0x3  }
0x94: {  	_ =	strace s2  }
0x95: {  	s2 =	sld [smem:$0x3FFD];
	_ =	sdelay $0x3  }
0x96: {  	_ =	strace s2  }
0x97: {  	_ =	strace $0x8FFFFFFF  }
0x98: {  	s18 =	sld [smem:$0x3FDB];
	_ =	sdelay $0x1  }
0x99: {  	s19 =	simm.s32 $_scs_section_size  }
0x9a: {  	s4 =	simm.s32 $_size__tile_overlayer_lowered;
	s5 =	simm.s32 $_tile_overlayer_lowered  }
0x9b: {  	s22 =	simm.s32 $0x1BFF;
	s21 =	sshll.u32 s5, $0x1;
	s2 =	sadd.s32 s19, s18  }
0x9c: {  	s6 =	simm.s32 $0x0;
	s20 =	sshll.u32 s4, $0x1;
	s4 =	sadd.s32 s21, s2  }
0x9d: {  	[timem:s6], [sflag:s22] =	dma.local [hbm:s4], s20  }
0x9e: {  	_ =	swait.ge [sflag:s22], s20  }
0x9f: {  	s3 =	ssub.s32 $0x0, s20;
	[sflag:s22] =	ssyncset.done $0x0  }
0xa0: {  	[sflag:s22] =	ssyncadd.s32 s3;
	_ =	sdelay $0x1  }
0xa1: {  	s23 =	simm.s32 $0x1B8B  }
0xa2: {  	_ =	swait.ge [sflag:s23], $0x1  }
0xa3: {  	[sflag:s23] =	ssyncset.done $0x0  }
0xa4: {  	s25 =	simm.s32 $0x1B8E;
	s24 =	sld [smem:$0x3FFE];
	[sflag:s23] =	ssyncadd.s32 $0xFFFFFFFF  }
0xa5: {  	s26 =	simm.s32 $execute0_lowered;
	[smem:$0x3FD2] =	sst s25  }
0xa6: {  	s4 =	sshll.u32 s26, $0x1;
	_ =	strace $0x80000046;
	[dreg:$0x1] =	wrdreg $0xFFFFFFFF  }
0xa7: {  	s28 =	simm.s32 $_size_execute0_lowered;
	s2 =	sadd.s32 s2, s4;
	[dreg:$0x0] =	wrdreg $0x0  }
0xa8: {  	s4 =	sshll.u32 s28, $0x1;
	[dreg:$0x2] =	wrdreg s2  }
0xa9: {  	[dreg:$0x3] =	wrdreg s4  }
0xaa: {  	[dreg:$0x4] =	wrdreg $0xC0  }
0xab: {  	_ =	task [dreg:s6], $0x5FFFF  }
0xac: {  	[dreg:$0x1] =	wrdreg $0xFFFFFFFF  }
0xad: {  	[dreg:$0x0] =	wrdreg $0x60  }
0xae: {  	[dreg:$0x2] =	wrdreg s24  }
0xaf: {  	[dreg:$0x3] =	wrdreg $0x9  }
0xb0: {  	_ =	task.clear_ibuf [dreg:s6], $0x4FFFF;
	_ =	strace $0x90000046  }
0xb1: {  	s29 =	simm.s32 $0x9;
	_ =	strace $0x80000048  }
0xb2: {  	_ =	swait.ge [sflag:s29], $0x1  }
0xb3: {  	[sflag:s29] =	ssyncadd.s32 $0xFFFFFFFF  }
0xb4: {  	_ =	strace $0x90000048  }
0xb5: {  	_ =	sfence  }
0xb6: {  	s30 =	sld [smem:$0x0];
	_ =	sdelay $0x2  }
0xb7: {  	s31 =	sshll.u32 s1, $0xD;
	s1 =	sshrl.u32 s1, $0x2  }
0xb8: {  	s3 =	sand.u32 $0x4000, s31;
	s1 =	sadd.s32 s1, s30  }
0xb9: {  	s0 =	sor.u32 s3, s0;
	s1 =	sshll.u32 s1, $0x11  }
0xba: {  	s0 =	sor.u32 s1, s0  }
0xbb: {  	s0 =	sadd.s32 $0x8F2B, s0  }
0xbc: {  	[sflag:s0] =	ssyncadd.remote.s32 $0x1  }
0xbd: {  	_ =	sfence.sel $0xFFFF  }
0xbe: {  	[dreg:$0x0] =	wrdreg $0xFFFFFFFF;
	(pc) =	sbr.abs _section_cstart, $3  }
0xbf: {  	[dreg:$0x1] =	wrdreg $0xFFFFFFFF  }
0xc0: {  	_ =	task.clear_ibuf [dreg:s6], $0x2FFFF;
	_ =	strace $0x9FFFFFFF  }
0xc1: {  	(tm) =	ssettm $0x7FFFFFFF  }
tec
execute0_lowered:
.L_overlay_start_1:
0x0: {  	(tag) =	ssettag $0x1  }
0x1: {  	s1 =	srdreg.scid  }
0x2: {  	s0 =	stileid.u32;
	s5 =	rddreg [dreg:$0x0]  }
0x3: {  	s2 =	simm.s32 $0x0;
	s8 =	simm.s32 $0x80;
	s9 =	simm.s32 $0x400  }
0x4: {  	s10 =	simm.s32 $0x0;
	s3 =	sand.u32 $0x1, s1;
	s29 =	sshll.u32 s0, $0x1  }
0x5: {  	s30 =	sshrl.u32 s0, $0x2;
	s1 =	rddreg [dreg:$0x1];
	s4 =	sor.u32 s3, s29  }
0x6: {  	[smem:$0x7FF] =	sst s2;
	s6 =	smul.u32 $0x13C00, s30;
	s7 =	sshll.u32 s4, $0x7  }
0x7: {  	s3 =	ssub.s32 $0x2, s3;
	s4 =	smul.u32 $0x4E2, s4;
	s7 =	sand.u32 $0x380, s7  }
0x8: {  	_ =	strace $0x80000047;
	s31 =	sshrl.u32 s3, $0x1;
	s6 =	sor.u32 s6, s7  }
0x9: {  	s4 =	sadd.s32 s4, s5;
	s7 =	simm.s32 $0x1;
	s6 =	sshrl.u32 s6, $0x3  }
0xa: {  	s5 =	sadd.s32 s6, s5;
	s6 =	ssub.s32 s3, s31;
	s3 =	sadd.s32 $0xF000, s4  }
0xb: {  	v0 =	vimm.f32 $0.0e+00;
	v1 =	vimm.f32 $1.000000000e+00;
	s4 =	sadd.s32 $0x18E00, s5;
	s5 =	smax.u32 s6, $0x1;
	s6 =	simm.s32 $0x2780  }
.LBB2_1:
0xc: {  	s11 =	simm.s32 $0x40;
	s12 =	simm.s32 $0x0  }
.LBB2_2:
0xd: {  	p0 =	sne.s32 s11, $0x9C00;
	[tilespmem:s12+$0x0] =	vst v0;
	s12 =	smov.u32 s11;
	s11 =	sadd.s32 $0x40, s11  }
.Ltmp0:
0xe: {  	(pc) =	sbr.rel @p0 .LBB2_2-.Ltmp0, $2  }
0xf: {  	_ =	sdelay $0x2  }
0x10: {  	s12 =	sshra.s32 s12, $0x2  }
0x11: {  	[tilespmem:s12+$0x0] =	vst v0;
	s11 =	simm.s32 $0x0  }
0x12: {  	[tilespmem:s6], [sflag:$0x1] =	stream.linear.gather [hbm4b:s3+s11], $0x2710, $0x38;
	[tilespmem:$0x4F00] =	vst v63  }
0x13: {  	_ =	swait.ge [sflag:s7], $0x2710  }
0x14: {  	[sflag:s7] =	ssyncset.done $0x0  }
0x15: {  	s12 =	simm.s32 $0x0;
	s11 =	simm.s32 $0x40;
	[sflag:s7] =	ssyncadd.s32 $0xFFFFD8F0  }
.LBB2_4:
0x16: {  	p0 =	sne.s32 s11, $0x9C00;
	v2 =	vld [tilespmem:s12+$0x2780];
	_ =	sdelay $0x3  }
.Ltmp1:
0x17: {  	(pc) =	sbr.rel @p0 .LBB2_4-.Ltmp1, $2  }
0x18: {  	_ =	sdelay $0x2  }
0x19: {  	s12 =	sshra.s32 s11, $0x2;
	s11 =	sadd.s32 $0x40, s11;
	[tilespmem:v2+s2+$0x0] =	vst.idx.add.f32.msk $0xffff, v1  }
0x1a: {  	v2 =	vld [tilespmem:s12+$0x2780];
	_ =	sdelay $0x5  }
0x1b: {  	s10 =	sadd.s32 $0x1, s10  }
0x1c: {  	p0 =	sne.s32 s10, s5  }
.Ltmp2:
0x1d: {  	[tilespmem:v2+s2+$0x0] =	vst.idx.add.f32.msk $0xffff, v1;
	(pc) =	sbr.rel @p0 .LBB2_1-.Ltmp2, $4  }
0x1e: {  	[hbm4b:s4+s8] =	stream.strided.scatter [tilespmem:s2], [sflag:$0x1], $0x2780, s9, s8, $0x38;
	[tilespmem:$0x4F00] =	vst v63  }
0x1f: {  	_ =	swait.ge [sflag:s7], $0x2780  }
0x20: {  	[sflag:s7] =	ssyncset.done $0x0  }
0x21: {  	[sflag:s7] =	ssyncadd.s32 $0xFFFFD880  }
0x22: {  	_ =	sfence.sel $0x180000  }
0x23: {  	[bflag:$0x0] =	sbarrier.arrive $0xFFFF  }
0x24: {  	p0 =	sne.s32 s0, $0x0;
	_ =	strace $0x90000047  }
0x25: {  	s0 =	sadd.s32 @!p0 $0x100000, s1;
	[bflag:$0x2] =	sbarrier.arrive $0xFFFF  }
0x26: {  	[sflag:s0] =	ssyncadd.tile.s32 @!p0 $0x1;
	_ =	shalt  }
.Lfunc_end2:
_tile_overlayer_lowered:
.L_overlay_start_2:
0x27: {  	(tag) =	ssettag $0x2  }
0x28: {  	s0 =	rddreg [dreg:$0x0];
	s2 =	stileid.u32  }
0x29: {  	s1 =	rddreg [dreg:$0x1];
	p0 =	sne.s32 s2, $0x0  }
0x2a: {  	s3 =	rddreg [dreg:$0x2];
	[bflag:$0x3] =	sbarrier.arrive $0xFFFF;
	s2 =	simm.s32 @!p0 $0x1C01  }
0x2b: {  	[timem:s3], [sflag:s2] =	dma.local @!p0 [hbm:s0], s1  }
0x2c: {  	s0 =	simm.s32 @!p0 $0x1  }
0x2d: {  	_ =	swait.ge @!p0 [sflag:s0], s1  }
0x2e: {  	s1 =	ssub.s32 @!p0 $0x0, s1;
	[sflag:s0] =	ssyncset.done @!p0 $0x0  }
0x2f: {  	[sflag:s0] =	ssyncadd.s32 @!p0 s1  }
0x30: {  	[bflag:$0x3] =	sbarrier.arrive $0xFFFF  }
0x31: {  	_ =	shalt  }

// kernel: kernel.16.cloned.1.call-start
scs
__scs_entry_jumppad:
0x0: {  	(pc) =	sbr.rel $0x88, $3  }
0x1: {  	(tag) =	ssettag $0x0;
	lr =	simm.s32 $0x1  }
0x2: {  	[smem:$0x3F88] =	sst lr;
	_ =	strace $0xD0000000  }
0x3: {  	_ = 	snop  }
0x4: {  	_ = 	snop  }
0x5: {  	_ = 	snop  }
0x6: {  	_ = 	snop  }
0x7: {  	_ = 	snop  }
__scs_overlays_trampoline_lowered:
0x8: {  	[smem:$0x3F97] =	sst s0  }
0x9: {  	[smem:$0x3F98] =	sst s1  }
0xa: {  	[smem:$0x3F99] =	sst s2  }
0xb: {  	[smem:$0x3F9A] =	sst s3  }
0xc: {  	[smem:$0x3F9B] =	sst s4  }
0xd: {  	[smem:$0x3F9C] =	sst s5  }
0xe: {  	[smem:$0x3F9D] =	sst s6  }
0xf: {  	[smem:$0x3F9E] =	sst s7  }
0x10: {  	[smem:$0x3F9F] =	sst s8  }
0x11: {  	[smem:$0x3FA0] =	sst s9;
	s0 =	simm.s32 @!p0 $0x0  }
0x12: {  	s1 =	sld [smem:$0x3F86];
	s0 =	simm.s32 @p0 $0x1  }
0x13: {  	[smem:$0x3FA1] =	sst s0;
	s0 =	simm.s32 @!p1 $0x0  }
0x14: {  	s2 =	sld [smem:$0x3F85];
	s0 =	simm.s32 @p1 $0x1  }
0x15: {  	[smem:$0x3FA2] =	sst s0;
	s0 =	simm.s32 @!p2 $0x0  }
0x16: {  	s3 =	sld [smem:$0x3FDB];
	s0 =	simm.s32 @p2 $0x1  }
0x17: {  	s4 =	simm.s32 $0x1BF5;
	[smem:$0x3FA4] =	sst s0  }
0x18: {  	s0 =	sld [smem:$0x3F87];
	_ =	swait.ge [sflag:s4], $0x0  }
0x19: {  	s7 =	sld [smem:$0x3F88]  }
0x1a: {  	s8 =	sadd.s32 $0xFFFFE003, lr  }
0x1b: {  	s9 =	sadd.s32 $0xFFFFFEF7, lr;
	s5 =	simm.s32 $0xFFFFFFFF;
	p2 =	slt.u32 s8, $0xFFFFF086  }
0x1c: {  	p1 =	slt.u32 s9, $0xF7A;
	s5 =	simm.s32 @!p2 $0x0  }
0x1d: {  	s5 =	simm.s32 @p1 $0x1;
	p0 =	seq.s32 s7, s2  }
0x1e: {  	s7 =	smul.u32 @!p0 $0xF7A, s2;
	p2 =	seq.s32 @!p0 s5, $0x0  }
0x1f: {  	s9 =	smul.u32 $0xF7A, s1;
	s8 =	simm.s32 @!p0 $0x1BF5;
	p2 =	por !p2, p0  }
0x20: {  	[sflag:s8] =	ssyncset.s32 @!p0 $0xFFFFF086;
	s6 =	sadd.s32 @!p0 s3, s7;
	s7 =	simm.s32 @!p0 $0x108  }
0x21: {  	s3 =	sadd.s32 s3, s9;
	s6 =	sadd.s32 @!p0 $0x88, s6;
	s7 =	simm.s32 @p2 $0x1082  }
0x22: {  	[simem:s7], [sflag:s8] =	dma.local @!p0 [hbm:s6], $0xF7A  }
0x23: {  	s9 =	sor.u32 $0xD0000000, s2;
	s6 =	simm.s32 $0x108;
	_ =	swait.ge @!p0 [sflag:s8], $0x0  }
0x24: {  	s3 =	sadd.s32 $0x88, s3;
	s6 =	simm.s32 @!p1 $0x1082;
	[sflag:s4] =	ssyncset.s32 $0xFFFFF086  }
0x25: {  	[simem:s6], [sflag:s4] =	dma.local [hbm:s3], $0xF7A  }
0x26: {  	[smem:$0x3F88] =	sst s1;
	(tag) =	ssettag s2;
	_ =	strace s9  }
0x27: {  	s1 =	sld [smem:$0x3F98]  }
0x28: {  	s2 =	sld [smem:$0x3F99]  }
0x29: {  	s4 =	sld [smem:$0x3F9B]  }
0x2a: {  	p0 =	seq.s32 s5, $0x0;
	s5 =	sld [smem:$0x3F9C]  }
0x2b: {  	s6 =	sld [smem:$0x3F9D]  }
0x2c: {  	s7 =	sld [smem:$0x3F9E]  }
0x2d: {  	s3 =	simm.s32 $0x108;
	s8 =	sld [smem:$0x3F9F]  }
0x2e: {  	s3 =	simm.s32 @!p0 $0x1082;
	s9 =	sld [smem:$0x3FA0]  }
0x2f: {  	lr =	sadd.s32 s0, s3;
	s0 =	sld [smem:$0x3F97]  }
0x30: {  	s3 =	sld [smem:$0x3F9A]  }
0x31: {  	[smem:$0x3FA3] =	sst s10  }
0x32: {  	s10 =	sld [smem:$0x3FA1];
	_ =	sdelay $0x3  }
0x33: {  	p0 =	seq.s32 s10, $0x1;
	s10 =	sld [smem:$0x3FA3];
	_ =	sdelay $0x3  }
0x34: {  	[smem:$0x3FA3] =	sst s10  }
0x35: {  	s10 =	sld [smem:$0x3FA2];
	_ =	sdelay $0x3  }
0x36: {  	p1 =	seq.s32 s10, $0x1;
	s10 =	sld [smem:$0x3FA3];
	_ =	sdelay $0x3  }
0x37: {  	[smem:$0x3FA3] =	sst s10  }
0x38: {  	s10 =	sld [smem:$0x3FA4]  }
0x39: {  	_ = 	snop;
	(pc) =	sbr.ind lr, $3  }
0x3a: {  	_ = 	snop  }
0x3b: {  	_ = 	snop  }
0x3c: {  	p2 =	seq.s32 s10, $0x1;
	s10 =	sld [smem:$0x3FA3]  }
0x3d: {  	_ =	shalt  }
0x3e: {  	_ =	shalt  }
0x3f: {  	_ =	shalt  }
0x40: {  	_ =	shalt  }
0x41: {  	_ =	shalt  }
0x42: {  	_ =	shalt  }
0x43: {  	_ =	shalt  }
0x44: {  	_ =	shalt  }
0x45: {  	_ =	shalt  }
0x46: {  	_ =	shalt  }
0x47: {  	_ =	shalt  }
0x48: {  	_ =	shalt  }
0x49: {  	_ =	shalt  }
0x4a: {  	_ =	shalt  }
0x4b: {  	_ =	shalt  }
0x4c: {  	_ =	shalt  }
0x4d: {  	_ =	shalt  }
0x4e: {  	_ =	shalt  }
0x4f: {  	_ =	shalt  }
0x50: {  	_ =	shalt  }
0x51: {  	_ =	shalt  }
0x52: {  	_ =	shalt  }
0x53: {  	_ =	shalt  }
0x54: {  	_ =	shalt  }
0x55: {  	_ =	shalt  }
0x56: {  	_ =	shalt  }
0x57: {  	_ =	shalt  }
0x58: {  	_ =	shalt  }
0x59: {  	_ =	shalt  }
0x5a: {  	_ =	shalt  }
0x5b: {  	_ =	shalt  }
0x5c: {  	_ =	shalt  }
0x5d: {  	_ =	shalt  }
0x5e: {  	_ =	shalt  }
0x5f: {  	_ =	shalt  }
0x60: {  	_ =	shalt  }
0x61: {  	_ =	shalt  }
0x62: {  	_ =	shalt  }
0x63: {  	_ =	shalt  }
0x64: {  	_ =	shalt  }
0x65: {  	_ =	shalt  }
0x66: {  	_ =	shalt  }
0x67: {  	_ =	shalt  }
0x68: {  	_ =	shalt  }
0x69: {  	_ =	shalt  }
0x6a: {  	_ =	shalt  }
0x6b: {  	_ =	shalt  }
0x6c: {  	_ =	shalt  }
0x6d: {  	_ =	shalt  }
0x6e: {  	_ =	shalt  }
0x6f: {  	_ =	shalt  }
0x70: {  	_ =	shalt  }
0x71: {  	_ =	shalt  }
0x72: {  	_ =	shalt  }
0x73: {  	_ =	shalt  }
0x74: {  	_ =	shalt  }
0x75: {  	_ =	shalt  }
0x76: {  	_ =	shalt  }
0x77: {  	_ =	shalt  }
0x78: {  	_ =	shalt  }
0x79: {  	_ =	shalt  }
0x7a: {  	_ =	shalt  }
0x7b: {  	_ =	shalt  }
0x7c: {  	_ =	shalt  }
0x7d: {  	_ =	shalt  }
0x7e: {  	_ =	shalt  }
0x7f: {  	_ =	shalt  }
0x80: {  	_ =	shalt  }
0x81: {  	_ =	shalt  }
0x82: {  	_ =	shalt  }
0x83: {  	_ =	shalt  }
0x84: {  	_ =	shalt  }
0x85: {  	_ =	shalt  }
0x86: {  	_ =	shalt  }
0x87: {  	_ =	shalt  }
.Lfunc_end0:
.L_simem_size_0:
called_computation.1_lowered:
.L_overlay_start_0:
0x88: {  	s2 =	sld [smem:$0x3FD9]  }
0x89: {  	s3 =	sld [smem:$0x3FFE];
	_ =	sdelay $0x1  }
0x8a: {  	s1 =	srdreg.scid  }
0x8b: {  	s0 =	sand.u32 $0x1, s1  }
0x8c: {  	s16 =	sshll.u32 s0, $0xA;
	s2 =	sadd.s32 s3, s2  }
0x8d: {  	s2 =	sadd.s32 s2, s16  }
0x8e: {  	[smem:$0x3FAF] =	sst s2  }
0x8f: {  	_ = 	snop  }
0x90: {  	(tm) =	ssettm $0x1  }
0x91: {  	s17 =	sld [smem:$0x3FFB];
	_ =	sdelay $0x3  }
0x92: {  	_ =	strace s17  }
0x93: {  	s2 =	sld [smem:$0x3FFC];
	_ =	sdelay $0x3  }
0x94: {  	_ =	strace s2  }
0x95: {  	s2 =	sld [smem:$0x3FFD];
	_ =	sdelay $0x3  }
0x96: {  	_ =	strace s2  }
0x97: {  	_ =	strace $0x8FFFFFFF  }
0x98: {  	s18 =	sld [smem:$0x3FDB];
	_ =	sdelay $0x1  }
0x99: {  	s19 =	simm.s32 $_scs_section_size  }
0x9a: {  	s4 =	simm.s32 $_size__tile_overlayer_lowered;
	s5 =	simm.s32 $_tile_overlayer_lowered  }
0x9b: {  	s22 =	simm.s32 $0x1BFF;
	s21 =	sshll.u32 s5, $0x1;
	s2 =	sadd.s32 s19, s18  }
0x9c: {  	s6 =	simm.s32 $0x0;
	s20 =	sshll.u32 s4, $0x1;
	s4 =	sadd.s32 s21, s2  }
0x9d: {  	[timem:s6], [sflag:s22] =	dma.local [hbm:s4], s20  }
0x9e: {  	_ =	swait.ge [sflag:s22], s20  }
0x9f: {  	s3 =	ssub.s32 $0x0, s20;
	[sflag:s22] =	ssyncset.done $0x0  }
0xa0: {  	[sflag:s22] =	ssyncadd.s32 s3;
	_ =	sdelay $0x1  }
0xa1: {  	s23 =	simm.s32 $0x1B8B  }
0xa2: {  	_ =	swait.ge [sflag:s23], $0x1  }
0xa3: {  	[sflag:s23] =	ssyncset.done $0x0  }
0xa4: {  	s25 =	simm.s32 $0x1B8E;
	s24 =	sld [smem:$0x3FFE];
	[sflag:s23] =	ssyncadd.s32 $0xFFFFFFFF  }
0xa5: {  	s26 =	simm.s32 $execute0_lowered;
	[smem:$0x3FD2] =	sst s25  }
0xa6: {  	s4 =	sshll.u32 s26, $0x1;
	_ =	strace $0x80000049;
	[dreg:$0x1] =	wrdreg $0xFFFFFFFF  }
0xa7: {  	s28 =	simm.s32 $_size_execute0_lowered;
	s2 =	sadd.s32 s2, s4;
	[dreg:$0x0] =	wrdreg $0x0  }
0xa8: {  	s4 =	sshll.u32 s28, $0x1;
	[dreg:$0x2] =	wrdreg s2  }
0xa9: {  	[dreg:$0x3] =	wrdreg s4  }
0xaa: {  	[dreg:$0x4] =	wrdreg $0xC0  }
0xab: {  	_ =	task [dreg:s6], $0x5FFFF  }
0xac: {  	[dreg:$0x1] =	wrdreg $0xFFFFFFFF  }
0xad: {  	[dreg:$0x0] =	wrdreg $0x60  }
0xae: {  	[dreg:$0x2] =	wrdreg s24  }
0xaf: {  	[dreg:$0x3] =	wrdreg $0x9  }
0xb0: {  	_ =	task.clear_ibuf [dreg:s6], $0x4FFFF;
	_ =	strace $0x90000049  }
0xb1: {  	s29 =	simm.s32 $0x9;
	_ =	strace $0x8000004B  }
0xb2: {  	_ =	swait.ge [sflag:s29], $0x1  }
0xb3: {  	[sflag:s29] =	ssyncadd.s32 $0xFFFFFFFF  }
0xb4: {  	_ =	strace $0x9000004B  }
0xb5: {  	_ =	sfence  }
0xb6: {  	s30 =	sld [smem:$0x0];
	_ =	sdelay $0x2  }
0xb7: {  	s31 =	sshll.u32 s1, $0xD;
	s1 =	sshrl.u32 s1, $0x2  }
0xb8: {  	s3 =	sand.u32 $0x4000, s31;
	s1 =	sadd.s32 s1, s30  }
0xb9: {  	s0 =	sor.u32 s3, s0;
	s1 =	sshll.u32 s1, $0x11  }
0xba: {  	s0 =	sor.u32 s1, s0  }
0xbb: {  	s0 =	sadd.s32 $0x8F2B, s0  }
0xbc: {  	[sflag:s0] =	ssyncadd.remote.s32 $0x1  }
0xbd: {  	_ =	sfence.sel $0xFFFF  }
0xbe: {  	[dreg:$0x0] =	wrdreg $0xFFFFFFFF;
	(pc) =	sbr.abs _section_cstart, $3  }
0xbf: {  	[dreg:$0x1] =	wrdreg $0xFFFFFFFF  }
0xc0: {  	_ =	task.clear_ibuf [dreg:s6], $0x2FFFF;
	_ =	strace $0x9FFFFFFF  }
0xc1: {  	(tm) =	ssettm $0x7FFFFFFF  }
tec
execute0_lowered:
.L_overlay_start_1:
0x0: {  	(tag) =	ssettag $0x1  }
0x1: {  	s6 =	rddreg [dreg:$0x0]  }
0x2: {  	s0 =	rddreg [dreg:$0x1];
	s2 =	simm.s32 $0x0;
	s3 =	srdreg.scid  }
0x3: {  	s1 =	stileid.u32;
	s9 =	simm.s32 $0x80;
	s10 =	simm.s32 $0x400  }
0x4: {  	s11 =	simm.s32 $0x1;
	s12 =	simm.s32 $0x4F00;
	s13 =	simm.s32 $0x6E80  }
0x5: {  	s14 =	simm.s32 $0x8E00;
	s15 =	simm.s32 $0x2780;
	s16 =	simm.s32 $0x0  }
0x6: {  	s5 =	sand.u32 $0x1, s3;
	s29 =	sshrl.u32 s1, $0x2;
	s4 =	sshll.u32 s1, $0x8  }
0x7: {  	s7 =	smul.u32 $0x13C00, s29;
	s30 =	sshll.u32 s5, $0x7;
	s4 =	sand.u32 $0x300, s4  }
0x8: {  	[smem:$0x7FF] =	sst s2;
	s3 =	sadd.s32 $0x5200, s6;
	s4 =	sor.u32 s30, s4  }
0x9: {  	_ =	strace $0x8000004A;
	s8 =	ssub.s32 $0x2, s5;
	s7 =	sor.u32 s7, s4  }
0xa: {  	s5 =	sadd.s32 $0x22C00, s6;
	s31 =	sshrl.u32 s8, $0x1;
	s7 =	sshrl.u32 s7, $0x3  }
0xb: {  	s4 =	sadd.s32 $0xF000, s6;
	s8 =	ssub.s32 s8, s31;
	s7 =	sadd.s32 s7, s6  }
0xc: {  	v0 =	vimm.f32 $0.0e+00;
	s8 =	smax.u32 s8, $0x1;
	s6 =	sadd.s32 $0x18E00, s7;
	s7 =	sadd.s32 $0x2CA00, s7  }
.LBB2_1:
0xd: {  	[tilespmem:s2], [sflag:$0x1] =	stream.strided.gather [hbm4b:s6+s9], $0x2780, s10, s9, $0x38;
	[tilespmem:$0xAD80] =	vst v63  }
0xe: {  	_ =	swait.ge [sflag:s11], $0x2780  }
0xf: {  	[sflag:s11] =	ssyncset.done $0x0  }
0x10: {  	s17 =	simm.s32 $0x40;
	s18 =	simm.s32 $0x0;
	[sflag:s11] =	ssyncadd.s32 $0xFFFFD880  }
.LBB2_2:
0x11: {  	p0 =	sne.s32 s17, $0x9C00;
	[tilespmem:s18+$0x2780] =	vst v0;
	s18 =	smov.u32 s17;
	s17 =	sadd.s32 $0x40, s17  }
.Ltmp0:
0x12: {  	(pc) =	sbr.rel @p0 .LBB2_2-.Ltmp0, $2  }
0x13: {  	_ =	sdelay $0x2  }
0x14: {  	s18 =	sshra.s32 s18, $0x2  }
0x15: {  	[tilespmem:s18+$0x2780] =	vst v0;
	s17 =	simm.s32 $0x0;
	s18 =	simm.s32 $0x0  }
.LBB2_4:
0x16: {  	s19 =	smul.u32 $0x3E8, s18;
	_ =	sdelay $0x1  }
0x17: {  	s20 =	sadd.s32 s3, s19  }
0x18: {  	[tilespmem:s12], [sflag:$0x1] =	stream.linear.gather [hbm4b:s20+s17], $0x1F40, $0x38;
	[tilespmem:$0xAD80] =	vst v63  }
0x19: {  	_ =	swait.ge [sflag:s11], $0x1F40  }
0x1a: {  	[sflag:s11] =	ssyncset.done $0x0  }
0x1b: {  	s31 =	sadd.s32 s4, s19;
	[sflag:s11] =	ssyncadd.s32 $0xFFFFE0C0  }
0x1c: {  	[tilespmem:s13], [sflag:$0x1] =	stream.linear.gather [hbm4b:s31+s17], $0x1F40, $0x38;
	[tilespmem:$0xAD80] =	vst v63  }
0x1d: {  	_ =	swait.ge [sflag:s11], $0x1F40  }
0x1e: {  	[sflag:s11] =	ssyncset.done $0x0  }
0x1f: {  	s19 =	sadd.s32 s5, s19;
	[sflag:s11] =	ssyncadd.s32 $0xFFFFE0C0  }
0x20: {  	[tilespmem:s14], [sflag:$0x1] =	stream.linear.gather [hbm4b:s19+s17], $0x1F40, $0x38;
	[tilespmem:$0xAD80] =	vst v63  }
0x21: {  	_ =	swait.ge [sflag:s11], $0x1F40  }
0x22: {  	[sflag:s11] =	ssyncset.done $0x0  }
0x23: {  	s20 =	simm.s32 $0x0;
	s19 =	simm.s32 $0x40;
	[sflag:s11] =	ssyncadd.s32 $0xFFFFE0C0  }
.LBB2_5:
0x24: {  	p0 =	sne.s32 s19, $0x7CC0;
	v1 =	vld [tilespmem:s20+$0x4F00];
	_ =	sdelay $0x6  }
0x25: {  	v2 =	vld [tilespmem:s20+$0x6E80]  }
0x26: {  	v1 =	vld.idx.msk [tilespmem:v1+s2+$0x0], $0xffff  }
0x27: {  	v3 =	vld [tilespmem:s20+$0x8E00];
	_ =	sdelay $0x2  }
.Ltmp1:
0x28: {  	(pc) =	sbr.rel @p0 .LBB2_5-.Ltmp1, $3  }
0x29: {  	_ = 	snop  }
0x2a: {  	v1 =	vmul.f32 v1, v3;
	_ =	sdelay $0x1  }
0x2b: {  	s20 =	sshra.s32 s19, $0x2;
	s19 =	sadd.s32 $0x40, s19;
	[tilespmem:v2+s15+$0x0] =	vst.idx.add.f32.msk $0xffff, v1  }
0x2c: {  	v1 =	vld [tilespmem:s20+$0x4F00];
	_ =	sdelay $0x5  }
0x2d: {  	v2 =	vld [tilespmem:s20+$0x6E80]  }
0x2e: {  	v3 =	vld [tilespmem:s20+$0x8E00]  }
0x2f: {  	v1 =	vld.idx.msk [tilespmem:v1+s2+$0x0], $0xffff  }
0x30: {  	s18 =	sadd.s32 $0x1, s18  }
0x31: {  	p0 =	sne.s32 s18, $0x28  }
.Ltmp2:
0x32: {  	_ = 	snop;
	(pc) =	sbr.rel @p0 .LBB2_4-.Ltmp2, $3  }
0x33: {  	_ = 	snop  }
0x34: {  	v1 =	vmul.f32 v1, v3;
	_ =	sdelay $0x1  }
0x35: {  	[tilespmem:v2+s15+$0x0] =	vst.idx.add.f32.msk $0xffff, v1  }
0x36: {  	s16 =	sadd.s32 $0x1, s16  }
0x37: {  	p0 =	sne.s32 s16, s8  }
.Ltmp3:
0x38: {  	_ = 	snop;
	(pc) =	sbr.rel @p0 .LBB2_1-.Ltmp3, $4  }
0x39: {  	[hbm4b:s7+s9] =	stream.strided.scatter [tilespmem:s15], [sflag:$0x1], $0x2780, s10, s9, $0x38;
	[tilespmem:$0xAD80] =	vst v63  }
0x3a: {  	_ =	swait.ge [sflag:s11], $0x2780  }
0x3b: {  	[sflag:s11] =	ssyncset.done $0x0  }
0x3c: {  	[sflag:s11] =	ssyncadd.s32 $0xFFFFD880  }
0x3d: {  	_ =	sfence.sel $0x180000  }
0x3e: {  	[bflag:$0x0] =	sbarrier.arrive $0xFFFF  }
0x3f: {  	p0 =	sne.s32 s1, $0x0;
	_ =	strace $0x9000004A  }
0x40: {  	s0 =	sadd.s32 @!p0 $0x100000, s0;
	[bflag:$0x2] =	sbarrier.arrive $0xFFFF  }
0x41: {  	[sflag:s0] =	ssyncadd.tile.s32 @!p0 $0x1;
	_ =	shalt  }
.Lfunc_end2:
_tile_overlayer_lowered:
.L_overlay_start_2:
0x42: {  	(tag) =	ssettag $0x2  }
0x43: {  	s0 =	rddreg [dreg:$0x0];
	s2 =	stileid.u32  }
0x44: {  	s1 =	rddreg [dreg:$0x1];
	p0 =	sne.s32 s2, $0x0  }
0x45: {  	s3 =	rddreg [dreg:$0x2];
	[bflag:$0x3] =	sbarrier.arrive $0xFFFF;
	s2 =	simm.s32 @!p0 $0x1C01  }
0x46: {  	[timem:s3], [sflag:s2] =	dma.local @!p0 [hbm:s0], s1  }
0x47: {  	s0 =	simm.s32 @!p0 $0x1  }
0x48: {  	_ =	swait.ge @!p0 [sflag:s0], s1  }
0x49: {  	s1 =	ssub.s32 @!p0 $0x0, s1;
	[sflag:s0] =	ssyncset.done @!p0 $0x0  }
0x4a: {  	[sflag:s0] =	ssyncadd.s32 @!p0 s1  }
0x4b: {  	[bflag:$0x3] =	sbarrier.arrive $0xFFFF  }
0x4c: {  	_ =	shalt  }

// kernel: kernel.19.cloned.1.call-start
scs
__scs_entry_jumppad:
0x0: {  	(pc) =	sbr.rel $0x88, $3  }
0x1: {  	(tag) =	ssettag $0x0;
	lr =	simm.s32 $0x1  }
0x2: {  	[smem:$0x3F88] =	sst lr;
	_ =	strace $0xD0000000  }
0x3: {  	_ = 	snop  }
0x4: {  	_ = 	snop  }
0x5: {  	_ = 	snop  }
0x6: {  	_ = 	snop  }
0x7: {  	_ = 	snop  }
__scs_overlays_trampoline_lowered:
0x8: {  	[smem:$0x3F97] =	sst s0  }
0x9: {  	[smem:$0x3F98] =	sst s1  }
0xa: {  	[smem:$0x3F99] =	sst s2  }
0xb: {  	[smem:$0x3F9A] =	sst s3  }
0xc: {  	[smem:$0x3F9B] =	sst s4  }
0xd: {  	[smem:$0x3F9C] =	sst s5  }
0xe: {  	[smem:$0x3F9D] =	sst s6  }
0xf: {  	[smem:$0x3F9E] =	sst s7  }
0x10: {  	[smem:$0x3F9F] =	sst s8  }
0x11: {  	[smem:$0x3FA0] =	sst s9;
	s0 =	simm.s32 @!p0 $0x0  }
0x12: {  	s1 =	sld [smem:$0x3F86];
	s0 =	simm.s32 @p0 $0x1  }
0x13: {  	[smem:$0x3FA1] =	sst s0;
	s0 =	simm.s32 @!p1 $0x0  }
0x14: {  	s2 =	sld [smem:$0x3F85];
	s0 =	simm.s32 @p1 $0x1  }
0x15: {  	[smem:$0x3FA2] =	sst s0;
	s0 =	simm.s32 @!p2 $0x0  }
0x16: {  	s3 =	sld [smem:$0x3FDB];
	s0 =	simm.s32 @p2 $0x1  }
0x17: {  	s4 =	simm.s32 $0x1BF5;
	[smem:$0x3FA4] =	sst s0  }
0x18: {  	s0 =	sld [smem:$0x3F87];
	_ =	swait.ge [sflag:s4], $0x0  }
0x19: {  	s7 =	sld [smem:$0x3F88]  }
0x1a: {  	s8 =	sadd.s32 $0xFFFFE003, lr  }
0x1b: {  	s9 =	sadd.s32 $0xFFFFFEF7, lr;
	s5 =	simm.s32 $0xFFFFFFFF;
	p2 =	slt.u32 s8, $0xFFFFF086  }
0x1c: {  	p1 =	slt.u32 s9, $0xF7A;
	s5 =	simm.s32 @!p2 $0x0  }
0x1d: {  	s5 =	simm.s32 @p1 $0x1;
	p0 =	seq.s32 s7, s2  }
0x1e: {  	s7 =	smul.u32 @!p0 $0xF7A, s2;
	p2 =	seq.s32 @!p0 s5, $0x0  }
0x1f: {  	s9 =	smul.u32 $0xF7A, s1;
	s8 =	simm.s32 @!p0 $0x1BF5;
	p2 =	por !p2, p0  }
0x20: {  	[sflag:s8] =	ssyncset.s32 @!p0 $0xFFFFF086;
	s6 =	sadd.s32 @!p0 s3, s7;
	s7 =	simm.s32 @!p0 $0x108  }
0x21: {  	s3 =	sadd.s32 s3, s9;
	s6 =	sadd.s32 @!p0 $0x88, s6;
	s7 =	simm.s32 @p2 $0x1082  }
0x22: {  	[simem:s7], [sflag:s8] =	dma.local @!p0 [hbm:s6], $0xF7A  }
0x23: {  	s9 =	sor.u32 $0xD0000000, s2;
	s6 =	simm.s32 $0x108;
	_ =	swait.ge @!p0 [sflag:s8], $0x0  }
0x24: {  	s3 =	sadd.s32 $0x88, s3;
	s6 =	simm.s32 @!p1 $0x1082;
	[sflag:s4] =	ssyncset.s32 $0xFFFFF086  }
0x25: {  	[simem:s6], [sflag:s4] =	dma.local [hbm:s3], $0xF7A  }
0x26: {  	[smem:$0x3F88] =	sst s1;
	(tag) =	ssettag s2;
	_ =	strace s9  }
0x27: {  	s1 =	sld [smem:$0x3F98]  }
0x28: {  	s2 =	sld [smem:$0x3F99]  }
0x29: {  	s4 =	sld [smem:$0x3F9B]  }
0x2a: {  	p0 =	seq.s32 s5, $0x0;
	s5 =	sld [smem:$0x3F9C]  }
0x2b: {  	s6 =	sld [smem:$0x3F9D]  }
0x2c: {  	s7 =	sld [smem:$0x3F9E]  }
0x2d: {  	s3 =	simm.s32 $0x108;
	s8 =	sld [smem:$0x3F9F]  }
0x2e: {  	s3 =	simm.s32 @!p0 $0x1082;
	s9 =	sld [smem:$0x3FA0]  }
0x2f: {  	lr =	sadd.s32 s0, s3;
	s0 =	sld [smem:$0x3F97]  }
0x30: {  	s3 =	sld [smem:$0x3F9A]  }
0x31: {  	[smem:$0x3FA3] =	sst s10  }
0x32: {  	s10 =	sld [smem:$0x3FA1];
	_ =	sdelay $0x3  }
0x33: {  	p0 =	seq.s32 s10, $0x1;
	s10 =	sld [smem:$0x3FA3];
	_ =	sdelay $0x3  }
0x34: {  	[smem:$0x3FA3] =	sst s10  }
0x35: {  	s10 =	sld [smem:$0x3FA2];
	_ =	sdelay $0x3  }
0x36: {  	p1 =	seq.s32 s10, $0x1;
	s10 =	sld [smem:$0x3FA3];
	_ =	sdelay $0x3  }
0x37: {  	[smem:$0x3FA3] =	sst s10  }
0x38: {  	s10 =	sld [smem:$0x3FA4]  }
0x39: {  	_ = 	snop;
	(pc) =	sbr.ind lr, $3  }
0x3a: {  	_ = 	snop  }
0x3b: {  	_ = 	snop  }
0x3c: {  	p2 =	seq.s32 s10, $0x1;
	s10 =	sld [smem:$0x3FA3]  }
0x3d: {  	_ =	shalt  }
0x3e: {  	_ =	shalt  }
0x3f: {  	_ =	shalt  }
0x40: {  	_ =	shalt  }
0x41: {  	_ =	shalt  }
0x42: {  	_ =	shalt  }
0x43: {  	_ =	shalt  }
0x44: {  	_ =	shalt  }
0x45: {  	_ =	shalt  }
0x46: {  	_ =	shalt  }
0x47: {  	_ =	shalt  }
0x48: {  	_ =	shalt  }
0x49: {  	_ =	shalt  }
0x4a: {  	_ =	shalt  }
0x4b: {  	_ =	shalt  }
0x4c: {  	_ =	shalt  }
0x4d: {  	_ =	shalt  }
0x4e: {  	_ =	shalt  }
0x4f: {  	_ =	shalt  }
0x50: {  	_ =	shalt  }
0x51: {  	_ =	shalt  }
0x52: {  	_ =	shalt  }
0x53: {  	_ =	shalt  }
0x54: {  	_ =	shalt  }
0x55: {  	_ =	shalt  }
0x56: {  	_ =	shalt  }
0x57: {  	_ =	shalt  }
0x58: {  	_ =	shalt  }
0x59: {  	_ =	shalt  }
0x5a: {  	_ =	shalt  }
0x5b: {  	_ =	shalt  }
0x5c: {  	_ =	shalt  }
0x5d: {  	_ =	shalt  }
0x5e: {  	_ =	shalt  }
0x5f: {  	_ =	shalt  }
0x60: {  	_ =	shalt  }
0x61: {  	_ =	shalt  }
0x62: {  	_ =	shalt  }
0x63: {  	_ =	shalt  }
0x64: {  	_ =	shalt  }
0x65: {  	_ =	shalt  }
0x66: {  	_ =	shalt  }
0x67: {  	_ =	shalt  }
0x68: {  	_ =	shalt  }
0x69: {  	_ =	shalt  }
0x6a: {  	_ =	shalt  }
0x6b: {  	_ =	shalt  }
0x6c: {  	_ =	shalt  }
0x6d: {  	_ =	shalt  }
0x6e: {  	_ =	shalt  }
0x6f: {  	_ =	shalt  }
0x70: {  	_ =	shalt  }
0x71: {  	_ =	shalt  }
0x72: {  	_ =	shalt  }
0x73: {  	_ =	shalt  }
0x74: {  	_ =	shalt  }
0x75: {  	_ =	shalt  }
0x76: {  	_ =	shalt  }
0x77: {  	_ =	shalt  }
0x78: {  	_ =	shalt  }
0x79: {  	_ =	shalt  }
0x7a: {  	_ =	shalt  }
0x7b: {  	_ =	shalt  }
0x7c: {  	_ =	shalt  }
0x7d: {  	_ =	shalt  }
0x7e: {  	_ =	shalt  }
0x7f: {  	_ =	shalt  }
0x80: {  	_ =	shalt  }
0x81: {  	_ =	shalt  }
0x82: {  	_ =	shalt  }
0x83: {  	_ =	shalt  }
0x84: {  	_ =	shalt  }
0x85: {  	_ =	shalt  }
0x86: {  	_ =	shalt  }
0x87: {  	_ =	shalt  }
.Lfunc_end0:
.L_simem_size_0:
called_computation.2_lowered:
.L_overlay_start_0:
0x88: {  	s2 =	sld [smem:$0x3FD9]  }
0x89: {  	s3 =	sld [smem:$0x3FFE];
	_ =	sdelay $0x1  }
0x8a: {  	s1 =	srdreg.scid  }
0x8b: {  	s0 =	sand.u32 $0x1, s1  }
0x8c: {  	s16 =	sshll.u32 s0, $0xA;
	s2 =	sadd.s32 s3, s2  }
0x8d: {  	s2 =	sadd.s32 s2, s16  }
0x8e: {  	[smem:$0x3FAF] =	sst s2  }
0x8f: {  	_ = 	snop  }
0x90: {  	(tm) =	ssettm $0x1  }
0x91: {  	s17 =	sld [smem:$0x3FFB];
	_ =	sdelay $0x3  }
0x92: {  	_ =	strace s17  }
0x93: {  	s2 =	sld [smem:$0x3FFC];
	_ =	sdelay $0x3  }
0x94: {  	_ =	strace s2  }
0x95: {  	s2 =	sld [smem:$0x3FFD];
	_ =	sdelay $0x3  }
0x96: {  	_ =	strace s2  }
0x97: {  	_ =	strace $0x8FFFFFFF  }
0x98: {  	s18 =	sld [smem:$0x3FDB];
	_ =	sdelay $0x1  }
0x99: {  	s19 =	simm.s32 $_scs_section_size  }
0x9a: {  	s4 =	simm.s32 $_size__tile_overlayer_lowered;
	s5 =	simm.s32 $_tile_overlayer_lowered  }
0x9b: {  	s22 =	simm.s32 $0x1BFF;
	s21 =	sshll.u32 s5, $0x1;
	s2 =	sadd.s32 s19, s18  }
0x9c: {  	s6 =	simm.s32 $0x0;
	s20 =	sshll.u32 s4, $0x1;
	s4 =	sadd.s32 s21, s2  }
0x9d: {  	[timem:s6], [sflag:s22] =	dma.local [hbm:s4], s20  }
0x9e: {  	_ =	swait.ge [sflag:s22], s20  }
0x9f: {  	s3 =	ssub.s32 $0x0, s20;
	[sflag:s22] =	ssyncset.done $0x0  }
0xa0: {  	[sflag:s22] =	ssyncadd.s32 s3;
	_ =	sdelay $0x1  }
0xa1: {  	s23 =	simm.s32 $0x1B8B  }
0xa2: {  	_ =	swait.ge [sflag:s23], $0x1  }
0xa3: {  	[sflag:s23] =	ssyncset.done $0x0  }
0xa4: {  	s25 =	simm.s32 $0x1B8E;
	s24 =	sld [smem:$0x3FFE];
	[sflag:s23] =	ssyncadd.s32 $0xFFFFFFFF  }
0xa5: {  	s26 =	simm.s32 $execute0_lowered;
	[smem:$0x3FD2] =	sst s25  }
0xa6: {  	s4 =	sshll.u32 s26, $0x1;
	_ =	strace $0x8000004C;
	[dreg:$0x1] =	wrdreg $0xFFFFFFFF  }
0xa7: {  	s28 =	simm.s32 $_size_execute0_lowered;
	s2 =	sadd.s32 s2, s4;
	[dreg:$0x0] =	wrdreg $0x0  }
0xa8: {  	s4 =	sshll.u32 s28, $0x1;
	[dreg:$0x2] =	wrdreg s2  }
0xa9: {  	[dreg:$0x3] =	wrdreg s4  }
0xaa: {  	[dreg:$0x4] =	wrdreg $0xC0  }
0xab: {  	_ =	task [dreg:s6], $0x5FFFF  }
0xac: {  	[dreg:$0x1] =	wrdreg $0xFFFFFFFF  }
0xad: {  	[dreg:$0x0] =	wrdreg $0x60  }
0xae: {  	[dreg:$0x2] =	wrdreg s24  }
0xaf: {  	[dreg:$0x3] =	wrdreg $0x9  }
0xb0: {  	_ =	task.clear_ibuf [dreg:s6], $0x4FFFF;
	_ =	strace $0x9000004C  }
0xb1: {  	s29 =	simm.s32 $0x9;
	_ =	strace $0x8000004E  }
0xb2: {  	_ =	swait.ge [sflag:s29], $0x1  }
0xb3: {  	[sflag:s29] =	ssyncadd.s32 $0xFFFFFFFF  }
0xb4: {  	_ =	strace $0x9000004E  }
0xb5: {  	_ =	sfence  }
0xb6: {  	s30 =	sld [smem:$0x0];
	_ =	sdelay $0x2  }
0xb7: {  	s31 =	sshll.u32 s1, $0xD;
	s1 =	sshrl.u32 s1, $0x2  }
0xb8: {  	s3 =	sand.u32 $0x4000, s31;
	s1 =	sadd.s32 s1, s30  }
0xb9: {  	s0 =	sor.u32 s3, s0;
	s1 =	sshll.u32 s1, $0x11  }
0xba: {  	s0 =	sor.u32 s1, s0  }
0xbb: {  	s0 =	sadd.s32 $0x8F2B, s0  }
0xbc: {  	[sflag:s0] =	ssyncadd.remote.s32 $0x1  }
0xbd: {  	_ =	sfence.sel $0xFFFF  }
0xbe: {  	[dreg:$0x0] =	wrdreg $0xFFFFFFFF;
	(pc) =	sbr.abs _section_cstart, $3  }
0xbf: {  	[dreg:$0x1] =	wrdreg $0xFFFFFFFF  }
0xc0: {  	_ =	task.clear_ibuf [dreg:s6], $0x2FFFF;
	_ =	strace $0x9FFFFFFF  }
0xc1: {  	(tm) =	ssettm $0x7FFFFFFF  }
tec
execute0_lowered:
.L_overlay_start_1:
0x0: {  	(tag) =	ssettag $0x1  }
0x1: {  	s6 =	rddreg [dreg:$0x0]  }
0x2: {  	s0 =	rddreg [dreg:$0x1];
	s2 =	simm.s32 $0x0;
	s3 =	srdreg.scid  }
0x3: {  	s1 =	stileid.u32;
	s9 =	simm.s32 $0x80;
	s10 =	simm.s32 $0x400  }
0x4: {  	s11 =	simm.s32 $0x1;
	s12 =	simm.s32 $0x4F00;
	s13 =	simm.s32 $0x6E80  }
0x5: {  	s14 =	simm.s32 $0x8E00;
	s15 =	simm.s32 $0x2780;
	s16 =	simm.s32 $0x0  }
0x6: {  	s5 =	sand.u32 $0x1, s3;
	s29 =	sshrl.u32 s1, $0x2;
	s4 =	sshll.u32 s1, $0x8  }
0x7: {  	s7 =	smul.u32 $0x13C00, s29;
	s30 =	sshll.u32 s5, $0x7;
	s4 =	sand.u32 $0x300, s4  }
0x8: {  	[smem:$0x7FF] =	sst s2;
	s3 =	sadd.s32 $0x5200, s6;
	s4 =	sor.u32 s30, s4  }
0x9: {  	_ =	strace $0x8000004D;
	s8 =	ssub.s32 $0x2, s5;
	s7 =	sor.u32 s7, s4  }
0xa: {  	s5 =	sadd.s32 $0x22C00, s6;
	s31 =	sshrl.u32 s8, $0x1;
	s7 =	sshrl.u32 s7, $0x3  }
0xb: {  	s4 =	sadd.s32 $0xF000, s6;
	s8 =	ssub.s32 s8, s31;
	s7 =	sadd.s32 s7, s6  }
0xc: {  	v0 =	vimm.f32 $0.0e+00;
	s8 =	smax.u32 s8, $0x1;
	s6 =	sadd.s32 $0x18E00, s7;
	s7 =	sadd.s32 $0x2CA00, s7  }
.LBB2_1:
0xd: {  	[tilespmem:s2], [sflag:$0x1] =	stream.strided.gather [hbm4b:s6+s9], $0x2780, s10, s9, $0x38;
	[tilespmem:$0xAD80] =	vst v63  }
0xe: {  	_ =	swait.ge [sflag:s11], $0x2780  }
0xf: {  	[sflag:s11] =	ssyncset.done $0x0  }
0x10: {  	s17 =	simm.s32 $0x40;
	s18 =	simm.s32 $0x0;
	[sflag:s11] =	ssyncadd.s32 $0xFFFFD880  }
.LBB2_2:
0x11: {  	p0 =	sne.s32 s17, $0x9C00;
	[tilespmem:s18+$0x2780] =	vst v0;
	s18 =	smov.u32 s17;
	s17 =	sadd.s32 $0x40, s17  }
.Ltmp0:
0x12: {  	(pc) =	sbr.rel @p0 .LBB2_2-.Ltmp0, $2  }
0x13: {  	_ =	sdelay $0x2  }
0x14: {  	s18 =	sshra.s32 s18, $0x2  }
0x15: {  	[tilespmem:s18+$0x2780] =	vst v0;
	s17 =	simm.s32 $0x0;
	s18 =	simm.s32 $0x0  }
.LBB2_4:
0x16: {  	s19 =	smul.u32 $0x3E8, s18;
	_ =	sdelay $0x1  }
0x17: {  	s20 =	sadd.s32 s3, s19  }
0x18: {  	[tilespmem:s12], [sflag:$0x1] =	stream.linear.gather [hbm4b:s20+s17], $0x1F40, $0x38;
	[tilespmem:$0xAD80] =	vst v63  }
0x19: {  	_ =	swait.ge [sflag:s11], $0x1F40  }
0x1a: {  	[sflag:s11] =	ssyncset.done $0x0  }
0x1b: {  	s31 =	sadd.s32 s4, s19;
	[sflag:s11] =	ssyncadd.s32 $0xFFFFE0C0  }
0x1c: {  	[tilespmem:s13], [sflag:$0x1] =	stream.linear.gather [hbm4b:s31+s17], $0x1F40, $0x38;
	[tilespmem:$0xAD80] =	vst v63  }
0x1d: {  	_ =	swait.ge [sflag:s11], $0x1F40  }
0x1e: {  	[sflag:s11] =	ssyncset.done $0x0  }
0x1f: {  	s19 =	sadd.s32 s5, s19;
	[sflag:s11] =	ssyncadd.s32 $0xFFFFE0C0  }
0x20: {  	[tilespmem:s14], [sflag:$0x1] =	stream.linear.gather [hbm4b:s19+s17], $0x1F40, $0x38;
	[tilespmem:$0xAD80] =	vst v63  }
0x21: {  	_ =	swait.ge [sflag:s11], $0x1F40  }
0x22: {  	[sflag:s11] =	ssyncset.done $0x0  }
0x23: {  	s20 =	simm.s32 $0x0;
	s19 =	simm.s32 $0x40;
	[sflag:s11] =	ssyncadd.s32 $0xFFFFE0C0  }
.LBB2_5:
0x24: {  	p0 =	sne.s32 s19, $0x7CC0;
	v1 =	vld [tilespmem:s20+$0x4F00];
	_ =	sdelay $0x6  }
0x25: {  	v2 =	vld [tilespmem:s20+$0x6E80]  }
0x26: {  	v1 =	vld.idx.msk [tilespmem:v1+s2+$0x0], $0xffff  }
0x27: {  	v3 =	vld [tilespmem:s20+$0x8E00];
	_ =	sdelay $0x2  }
.Ltmp1:
0x28: {  	(pc) =	sbr.rel @p0 .LBB2_5-.Ltmp1, $3  }
0x29: {  	_ = 	snop  }
0x2a: {  	v1 =	vmul.f32 v1, v3;
	_ =	sdelay $0x1  }
0x2b: {  	s20 =	sshra.s32 s19, $0x2;
	s19 =	sadd.s32 $0x40, s19;
	[tilespmem:v2+s15+$0x0] =	vst.idx.add.f32.msk $0xffff, v1  }
0x2c: {  	v1 =	vld [tilespmem:s20+$0x4F00];
	_ =	sdelay $0x5  }
0x2d: {  	v2 =	vld [tilespmem:s20+$0x6E80]  }
0x2e: {  	v3 =	vld [tilespmem:s20+$0x8E00]  }
0x2f: {  	v1 =	vld.idx.msk [tilespmem:v1+s2+$0x0], $0xffff  }
0x30: {  	s18 =	sadd.s32 $0x1, s18  }
0x31: {  	p0 =	sne.s32 s18, $0x28  }
.Ltmp2:
0x32: {  	_ = 	snop;
	(pc) =	sbr.rel @p0 .LBB2_4-.Ltmp2, $3  }
0x33: {  	_ = 	snop  }
0x34: {  	v1 =	vmul.f32 v1, v3;
	_ =	sdelay $0x1  }
0x35: {  	[tilespmem:v2+s15+$0x0] =	vst.idx.add.f32.msk $0xffff, v1  }
0x36: {  	s16 =	sadd.s32 $0x1, s16  }
0x37: {  	p0 =	sne.s32 s16, s8  }
.Ltmp3:
0x38: {  	_ = 	snop;
	(pc) =	sbr.rel @p0 .LBB2_1-.Ltmp3, $4  }
0x39: {  	[hbm4b:s7+s9] =	stream.strided.scatter [tilespmem:s15], [sflag:$0x1], $0x2780, s10, s9, $0x38;
	[tilespmem:$0xAD80] =	vst v63  }
0x3a: {  	_ =	swait.ge [sflag:s11], $0x2780  }
0x3b: {  	[sflag:s11] =	ssyncset.done $0x0  }
0x3c: {  	[sflag:s11] =	ssyncadd.s32 $0xFFFFD880  }
0x3d: {  	_ =	sfence.sel $0x180000  }
0x3e: {  	[bflag:$0x0] =	sbarrier.arrive $0xFFFF  }
0x3f: {  	p0 =	sne.s32 s1, $0x0;
	_ =	strace $0x9000004D  }
0x40: {  	s0 =	sadd.s32 @!p0 $0x100000, s0;
	[bflag:$0x2] =	sbarrier.arrive $0xFFFF  }
0x41: {  	[sflag:s0] =	ssyncadd.tile.s32 @!p0 $0x1;
	_ =	shalt  }
.Lfunc_end2:
_tile_overlayer_lowered:
.L_overlay_start_2:
0x42: {  	(tag) =	ssettag $0x2  }
0x43: {  	s0 =	rddreg [dreg:$0x0];
	s2 =	stileid.u32  }
0x44: {  	s1 =	rddreg [dreg:$0x1];
	p0 =	sne.s32 s2, $0x0  }
0x45: {  	s3 =	rddreg [dreg:$0x2];
	[bflag:$0x3] =	sbarrier.arrive $0xFFFF;
	s2 =	simm.s32 @!p0 $0x1C01  }
0x46: {  	[timem:s3], [sflag:s2] =	dma.local @!p0 [hbm:s0], s1  }
0x47: {  	s0 =	simm.s32 @!p0 $0x1  }
0x48: {  	_ =	swait.ge @!p0 [sflag:s0], s1  }
0x49: {  	s1 =	ssub.s32 @!p0 $0x0, s1;
	[sflag:s0] =	ssyncset.done @!p0 $0x0  }
0x4a: {  	[sflag:s0] =	ssyncadd.s32 @!p0 s1  }
0x4b: {  	[bflag:$0x3] =	sbarrier.arrive $0xFFFF  }
0x4c: {  	_ =	shalt  }

// kernel: kernel.22.cloned.1.call-start
scs
__scs_entry_jumppad:
0x0: {  	(pc) =	sbr.rel $0x88, $3  }
0x1: {  	(tag) =	ssettag $0x0;
	lr =	simm.s32 $0x1  }
0x2: {  	[smem:$0x3F88] =	sst lr;
	_ =	strace $0xD0000000  }
0x3: {  	_ = 	snop  }
0x4: {  	_ = 	snop  }
0x5: {  	_ = 	snop  }
0x6: {  	_ = 	snop  }
0x7: {  	_ = 	snop  }
__scs_overlays_trampoline_lowered:
0x8: {  	[smem:$0x3F97] =	sst s0  }
0x9: {  	[smem:$0x3F98] =	sst s1  }
0xa: {  	[smem:$0x3F99] =	sst s2  }
0xb: {  	[smem:$0x3F9A] =	sst s3  }
0xc: {  	[smem:$0x3F9B] =	sst s4  }
0xd: {  	[smem:$0x3F9C] =	sst s5  }
0xe: {  	[smem:$0x3F9D] =	sst s6  }
0xf: {  	[smem:$0x3F9E] =	sst s7  }
0x10: {  	[smem:$0x3F9F] =	sst s8  }
0x11: {  	[smem:$0x3FA0] =	sst s9;
	s0 =	simm.s32 @!p0 $0x0  }
0x12: {  	s1 =	sld [smem:$0x3F86];
	s0 =	simm.s32 @p0 $0x1  }
0x13: {  	[smem:$0x3FA1] =	sst s0;
	s0 =	simm.s32 @!p1 $0x0  }
0x14: {  	s2 =	sld [smem:$0x3F85];
	s0 =	simm.s32 @p1 $0x1  }
0x15: {  	[smem:$0x3FA2] =	sst s0;
	s0 =	simm.s32 @!p2 $0x0  }
0x16: {  	s3 =	sld [smem:$0x3FDB];
	s0 =	simm.s32 @p2 $0x1  }
0x17: {  	s4 =	simm.s32 $0x1BF5;
	[smem:$0x3FA4] =	sst s0  }
0x18: {  	s0 =	sld [smem:$0x3F87];
	_ =	swait.ge [sflag:s4], $0x0  }
0x19: {  	s7 =	sld [smem:$0x3F88]  }
0x1a: {  	s8 =	sadd.s32 $0xFFFFE003, lr  }
0x1b: {  	s9 =	sadd.s32 $0xFFFFFEF7, lr;
	s5 =	simm.s32 $0xFFFFFFFF;
	p2 =	slt.u32 s8, $0xFFFFF086  }
0x1c: {  	p1 =	slt.u32 s9, $0xF7A;
	s5 =	simm.s32 @!p2 $0x0  }
0x1d: {  	s5 =	simm.s32 @p1 $0x1;
	p0 =	seq.s32 s7, s2  }
0x1e: {  	s7 =	smul.u32 @!p0 $0xF7A, s2;
	p2 =	seq.s32 @!p0 s5, $0x0  }
0x1f: {  	s9 =	smul.u32 $0xF7A, s1;
	s8 =	simm.s32 @!p0 $0x1BF5;
	p2 =	por !p2, p0  }
0x20: {  	[sflag:s8] =	ssyncset.s32 @!p0 $0xFFFFF086;
	s6 =	sadd.s32 @!p0 s3, s7;
	s7 =	simm.s32 @!p0 $0x108  }
0x21: {  	s3 =	sadd.s32 s3, s9;
	s6 =	sadd.s32 @!p0 $0x88, s6;
	s7 =	simm.s32 @p2 $0x1082  }
0x22: {  	[simem:s7], [sflag:s8] =	dma.local @!p0 [hbm:s6], $0xF7A  }
0x23: {  	s9 =	sor.u32 $0xD0000000, s2;
	s6 =	simm.s32 $0x108;
	_ =	swait.ge @!p0 [sflag:s8], $0x0  }
0x24: {  	s3 =	sadd.s32 $0x88, s3;
	s6 =	simm.s32 @!p1 $0x1082;
	[sflag:s4] =	ssyncset.s32 $0xFFFFF086  }
0x25: {  	[simem:s6], [sflag:s4] =	dma.local [hbm:s3], $0xF7A  }
0x26: {  	[smem:$0x3F88] =	sst s1;
	(tag) =	ssettag s2;
	_ =	strace s9  }
0x27: {  	s1 =	sld [smem:$0x3F98]  }
0x28: {  	s2 =	sld [smem:$0x3F99]  }
0x29: {  	s4 =	sld [smem:$0x3F9B]  }
0x2a: {  	p0 =	seq.s32 s5, $0x0;
	s5 =	sld [smem:$0x3F9C]  }
0x2b: {  	s6 =	sld [smem:$0x3F9D]  }
0x2c: {  	s7 =	sld [smem:$0x3F9E]  }
0x2d: {  	s3 =	simm.s32 $0x108;
	s8 =	sld [smem:$0x3F9F]  }
0x2e: {  	s3 =	simm.s32 @!p0 $0x1082;
	s9 =	sld [smem:$0x3FA0]  }
0x2f: {  	lr =	sadd.s32 s0, s3;
	s0 =	sld [smem:$0x3F97]  }
0x30: {  	s3 =	sld [smem:$0x3F9A]  }
0x31: {  	[smem:$0x3FA3] =	sst s10  }
0x32: {  	s10 =	sld [smem:$0x3FA1];
	_ =	sdelay $0x3  }
0x33: {  	p0 =	seq.s32 s10, $0x1;
	s10 =	sld [smem:$0x3FA3];
	_ =	sdelay $0x3  }
0x34: {  	[smem:$0x3FA3] =	sst s10  }
0x35: {  	s10 =	sld [smem:$0x3FA2];
	_ =	sdelay $0x3  }
0x36: {  	p1 =	seq.s32 s10, $0x1;
	s10 =	sld [smem:$0x3FA3];
	_ =	sdelay $0x3  }
0x37: {  	[smem:$0x3FA3] =	sst s10  }
0x38: {  	s10 =	sld [smem:$0x3FA4]  }
0x39: {  	_ = 	snop;
	(pc) =	sbr.ind lr, $3  }
0x3a: {  	_ = 	snop  }
0x3b: {  	_ = 	snop  }
0x3c: {  	p2 =	seq.s32 s10, $0x1;
	s10 =	sld [smem:$0x3FA3]  }
0x3d: {  	_ =	shalt  }
0x3e: {  	_ =	shalt  }
0x3f: {  	_ =	shalt  }
0x40: {  	_ =	shalt  }
0x41: {  	_ =	shalt  }
0x42: {  	_ =	shalt  }
0x43: {  	_ =	shalt  }
0x44: {  	_ =	shalt  }
0x45: {  	_ =	shalt  }
0x46: {  	_ =	shalt  }
0x47: {  	_ =	shalt  }
0x48: {  	_ =	shalt  }
0x49: {  	_ =	shalt  }
0x4a: {  	_ =	shalt  }
0x4b: {  	_ =	shalt  }
0x4c: {  	_ =	shalt  }
0x4d: {  	_ =	shalt  }
0x4e: {  	_ =	shalt  }
0x4f: {  	_ =	shalt  }
0x50: {  	_ =	shalt  }
0x51: {  	_ =	shalt  }
0x52: {  	_ =	shalt  }
0x53: {  	_ =	shalt  }
0x54: {  	_ =	shalt  }
0x55: {  	_ =	shalt  }
0x56: {  	_ =	shalt  }
0x57: {  	_ =	shalt  }
0x58: {  	_ =	shalt  }
0x59: {  	_ =	shalt  }
0x5a: {  	_ =	shalt  }
0x5b: {  	_ =	shalt  }
0x5c: {  	_ =	shalt  }
0x5d: {  	_ =	shalt  }
0x5e: {  	_ =	shalt  }
0x5f: {  	_ =	shalt  }
0x60: {  	_ =	shalt  }
0x61: {  	_ =	shalt  }
0x62: {  	_ =	shalt  }
0x63: {  	_ =	shalt  }
0x64: {  	_ =	shalt  }
0x65: {  	_ =	shalt  }
0x66: {  	_ =	shalt  }
0x67: {  	_ =	shalt  }
0x68: {  	_ =	shalt  }
0x69: {  	_ =	shalt  }
0x6a: {  	_ =	shalt  }
0x6b: {  	_ =	shalt  }
0x6c: {  	_ =	shalt  }
0x6d: {  	_ =	shalt  }
0x6e: {  	_ =	shalt  }
0x6f: {  	_ =	shalt  }
0x70: {  	_ =	shalt  }
0x71: {  	_ =	shalt  }
0x72: {  	_ =	shalt  }
0x73: {  	_ =	shalt  }
0x74: {  	_ =	shalt  }
0x75: {  	_ =	shalt  }
0x76: {  	_ =	shalt  }
0x77: {  	_ =	shalt  }
0x78: {  	_ =	shalt  }
0x79: {  	_ =	shalt  }
0x7a: {  	_ =	shalt  }
0x7b: {  	_ =	shalt  }
0x7c: {  	_ =	shalt  }
0x7d: {  	_ =	shalt  }
0x7e: {  	_ =	shalt  }
0x7f: {  	_ =	shalt  }
0x80: {  	_ =	shalt  }
0x81: {  	_ =	shalt  }
0x82: {  	_ =	shalt  }
0x83: {  	_ =	shalt  }
0x84: {  	_ =	shalt  }
0x85: {  	_ =	shalt  }
0x86: {  	_ =	shalt  }
0x87: {  	_ =	shalt  }
.Lfunc_end0:
.L_simem_size_0:
called_computation.3_lowered:
.L_overlay_start_0:
0x88: {  	s2 =	sld [smem:$0x3FD9]  }
0x89: {  	s3 =	sld [smem:$0x3FFE];
	_ =	sdelay $0x1  }
0x8a: {  	s1 =	srdreg.scid  }
0x8b: {  	s0 =	sand.u32 $0x1, s1  }
0x8c: {  	s16 =	sshll.u32 s0, $0xA;
	s2 =	sadd.s32 s3, s2  }
0x8d: {  	s2 =	sadd.s32 s2, s16  }
0x8e: {  	[smem:$0x3FAF] =	sst s2  }
0x8f: {  	_ = 	snop  }
0x90: {  	(tm) =	ssettm $0x1  }
0x91: {  	s17 =	sld [smem:$0x3FFB];
	_ =	sdelay $0x3  }
0x92: {  	_ =	strace s17  }
0x93: {  	s2 =	sld [smem:$0x3FFC];
	_ =	sdelay $0x3  }
0x94: {  	_ =	strace s2  }
0x95: {  	s2 =	sld [smem:$0x3FFD];
	_ =	sdelay $0x3  }
0x96: {  	_ =	strace s2  }
0x97: {  	_ =	strace $0x8FFFFFFF  }
0x98: {  	s18 =	sld [smem:$0x3FDB];
	_ =	sdelay $0x1  }
0x99: {  	s19 =	simm.s32 $_scs_section_size  }
0x9a: {  	s4 =	simm.s32 $_size__tile_overlayer_lowered;
	s5 =	simm.s32 $_tile_overlayer_lowered  }
0x9b: {  	s22 =	simm.s32 $0x1BFF;
	s21 =	sshll.u32 s5, $0x1;
	s2 =	sadd.s32 s19, s18  }
0x9c: {  	s6 =	simm.s32 $0x0;
	s20 =	sshll.u32 s4, $0x1;
	s4 =	sadd.s32 s21, s2  }
0x9d: {  	[timem:s6], [sflag:s22] =	dma.local [hbm:s4], s20  }
0x9e: {  	_ =	swait.ge [sflag:s22], s20  }
0x9f: {  	s3 =	ssub.s32 $0x0, s20;
	[sflag:s22] =	ssyncset.done $0x0  }
0xa0: {  	[sflag:s22] =	ssyncadd.s32 s3;
	_ =	sdelay $0x1  }
0xa1: {  	s23 =	simm.s32 $0x1B8B  }
0xa2: {  	_ =	swait.ge [sflag:s23], $0x1  }
0xa3: {  	[sflag:s23] =	ssyncset.done $0x0  }
0xa4: {  	s25 =	simm.s32 $0x1B8E;
	s24 =	sld [smem:$0x3FFE];
	[sflag:s23] =	ssyncadd.s32 $0xFFFFFFFF  }
0xa5: {  	s26 =	simm.s32 $execute0_lowered;
	[smem:$0x3FD2] =	sst s25  }
0xa6: {  	s4 =	sshll.u32 s26, $0x1;
	_ =	strace $0x8000004F;
	[dreg:$0x1] =	wrdreg $0xFFFFFFFF  }
0xa7: {  	s28 =	simm.s32 $_size_execute0_lowered;
	s2 =	sadd.s32 s2, s4;
	[dreg:$0x0] =	wrdreg $0x0  }
0xa8: {  	s4 =	sshll.u32 s28, $0x1;
	[dreg:$0x2] =	wrdreg s2  }
0xa9: {  	[dreg:$0x3] =	wrdreg s4  }
0xaa: {  	[dreg:$0x4] =	wrdreg $0xC0  }
0xab: {  	_ =	task [dreg:s6], $0x5FFFF  }
0xac: {  	[dreg:$0x1] =	wrdreg $0xFFFFFFFF  }
0xad: {  	[dreg:$0x0] =	wrdreg $0x60  }
0xae: {  	[dreg:$0x2] =	wrdreg s24  }
0xaf: {  	[dreg:$0x3] =	wrdreg $0x9  }
0xb0: {  	_ =	task.clear_ibuf [dreg:s6], $0x4FFFF;
	_ =	strace $0x9000004F  }
0xb1: {  	s29 =	simm.s32 $0x9;
	_ =	strace $0x80000051  }
0xb2: {  	_ =	swait.ge [sflag:s29], $0x1  }
0xb3: {  	[sflag:s29] =	ssyncadd.s32 $0xFFFFFFFF  }
0xb4: {  	_ =	strace $0x90000051  }
0xb5: {  	_ =	sfence  }
0xb6: {  	s30 =	sld [smem:$0x0];
	_ =	sdelay $0x2  }
0xb7: {  	s31 =	sshll.u32 s1, $0xD;
	s1 =	sshrl.u32 s1, $0x2  }
0xb8: {  	s3 =	sand.u32 $0x4000, s31;
	s1 =	sadd.s32 s1, s30  }
0xb9: {  	s0 =	sor.u32 s3, s0;
	s1 =	sshll.u32 s1, $0x11  }
0xba: {  	s0 =	sor.u32 s1, s0  }
0xbb: {  	s0 =	sadd.s32 $0x8F2B, s0  }
0xbc: {  	[sflag:s0] =	ssyncadd.remote.s32 $0x1  }
0xbd: {  	_ =	sfence.sel $0xFFFF  }
0xbe: {  	[dreg:$0x0] =	wrdreg $0xFFFFFFFF;
	(pc) =	sbr.abs _section_cstart, $3  }
0xbf: {  	[dreg:$0x1] =	wrdreg $0xFFFFFFFF  }
0xc0: {  	_ =	task.clear_ibuf [dreg:s6], $0x2FFFF;
	_ =	strace $0x9FFFFFFF  }
0xc1: {  	(tm) =	ssettm $0x7FFFFFFF  }
tec
execute0_lowered:
.L_overlay_start_1:
0x0: {  	(tag) =	ssettag $0x1  }
0x1: {  	s6 =	rddreg [dreg:$0x0]  }
0x2: {  	s0 =	rddreg [dreg:$0x1];
	s2 =	simm.s32 $0x0;
	s3 =	srdreg.scid  }
0x3: {  	s1 =	stileid.u32;
	s9 =	simm.s32 $0x80;
	s10 =	simm.s32 $0x400  }
0x4: {  	s11 =	simm.s32 $0x1;
	s12 =	simm.s32 $0x4F00;
	s13 =	simm.s32 $0x6E80  }
0x5: {  	s14 =	simm.s32 $0x8E00;
	s15 =	simm.s32 $0x2780;
	s16 =	simm.s32 $0x0  }
0x6: {  	s5 =	sand.u32 $0x1, s3;
	s29 =	sshrl.u32 s1, $0x2;
	s4 =	sshll.u32 s1, $0x8  }
0x7: {  	s7 =	smul.u32 $0x13C00, s29;
	s30 =	sshll.u32 s5, $0x7;
	s4 =	sand.u32 $0x300, s4  }
0x8: {  	[smem:$0x7FF] =	sst s2;
	s3 =	sadd.s32 $0x5200, s6;
	s4 =	sor.u32 s30, s4  }
0x9: {  	_ =	strace $0x80000050;
	s8 =	ssub.s32 $0x2, s5;
	s7 =	sor.u32 s7, s4  }
0xa: {  	s5 =	sadd.s32 $0x22C00, s6;
	s31 =	sshrl.u32 s8, $0x1;
	s7 =	sshrl.u32 s7, $0x3  }
0xb: {  	s4 =	sadd.s32 $0xF000, s6;
	s8 =	ssub.s32 s8, s31;
	s7 =	sadd.s32 s7, s6  }
0xc: {  	v0 =	vimm.f32 $0.0e+00;
	s8 =	smax.u32 s8, $0x1;
	s6 =	sadd.s32 $0x18E00, s7;
	s7 =	sadd.s32 $0x2CA00, s7  }
.LBB2_1:
0xd: {  	[tilespmem:s2], [sflag:$0x1] =	stream.strided.gather [hbm4b:s6+s9], $0x2780, s10, s9, $0x38;
	[tilespmem:$0xAD80] =	vst v63  }
0xe: {  	_ =	swait.ge [sflag:s11], $0x2780  }
0xf: {  	[sflag:s11] =	ssyncset.done $0x0  }
0x10: {  	s17 =	simm.s32 $0x40;
	s18 =	simm.s32 $0x0;
	[sflag:s11] =	ssyncadd.s32 $0xFFFFD880  }
.LBB2_2:
0x11: {  	p0 =	sne.s32 s17, $0x9C00;
	[tilespmem:s18+$0x2780] =	vst v0;
	s18 =	smov.u32 s17;
	s17 =	sadd.s32 $0x40, s17  }
.Ltmp0:
0x12: {  	(pc) =	sbr.rel @p0 .LBB2_2-.Ltmp0, $2  }
0x13: {  	_ =	sdelay $0x2  }
0x14: {  	s18 =	sshra.s32 s18, $0x2  }
0x15: {  	[tilespmem:s18+$0x2780] =	vst v0;
	s17 =	simm.s32 $0x0;
	s18 =	simm.s32 $0x0  }
.LBB2_4:
0x16: {  	s19 =	smul.u32 $0x3E8, s18;
	_ =	sdelay $0x1  }
0x17: {  	s20 =	sadd.s32 s3, s19  }
0x18: {  	[tilespmem:s12], [sflag:$0x1] =	stream.linear.gather [hbm4b:s20+s17], $0x1F40, $0x38;
	[tilespmem:$0xAD80] =	vst v63  }
0x19: {  	_ =	swait.ge [sflag:s11], $0x1F40  }
0x1a: {  	[sflag:s11] =	ssyncset.done $0x0  }
0x1b: {  	s31 =	sadd.s32 s4, s19;
	[sflag:s11] =	ssyncadd.s32 $0xFFFFE0C0  }
0x1c: {  	[tilespmem:s13], [sflag:$0x1] =	stream.linear.gather [hbm4b:s31+s17], $0x1F40, $0x38;
	[tilespmem:$0xAD80] =	vst v63  }
0x1d: {  	_ =	swait.ge [sflag:s11], $0x1F40  }
0x1e: {  	[sflag:s11] =	ssyncset.done $0x0  }
0x1f: {  	s19 =	sadd.s32 s5, s19;
	[sflag:s11] =	ssyncadd.s32 $0xFFFFE0C0  }
0x20: {  	[tilespmem:s14], [sflag:$0x1] =	stream.linear.gather [hbm4b:s19+s17], $0x1F40, $0x38;
	[tilespmem:$0xAD80] =	vst v63  }
0x21: {  	_ =	swait.ge [sflag:s11], $0x1F40  }
0x22: {  	[sflag:s11] =	ssyncset.done $0x0  }
0x23: {  	s20 =	simm.s32 $0x0;
	s19 =	simm.s32 $0x40;
	[sflag:s11] =	ssyncadd.s32 $0xFFFFE0C0  }
.LBB2_5:
0x24: {  	p0 =	sne.s32 s19, $0x7CC0;
	v1 =	vld [tilespmem:s20+$0x4F00];
	_ =	sdelay $0x6  }
0x25: {  	v2 =	vld [tilespmem:s20+$0x6E80]  }
0x26: {  	v1 =	vld.idx.msk [tilespmem:v1+s2+$0x0], $0xffff  }
0x27: {  	v3 =	vld [tilespmem:s20+$0x8E00];
	_ =	sdelay $0x2  }
.Ltmp1:
0x28: {  	(pc) =	sbr.rel @p0 .LBB2_5-.Ltmp1, $3  }
0x29: {  	_ = 	snop  }
0x2a: {  	v1 =	vmul.f32 v1, v3;
	_ =	sdelay $0x1  }
0x2b: {  	s20 =	sshra.s32 s19, $0x2;
	s19 =	sadd.s32 $0x40, s19;
	[tilespmem:v2+s15+$0x0] =	vst.idx.add.f32.msk $0xffff, v1  }
0x2c: {  	v1 =	vld [tilespmem:s20+$0x4F00];
	_ =	sdelay $0x5  }
0x2d: {  	v2 =	vld [tilespmem:s20+$0x6E80]  }
0x2e: {  	v3 =	vld [tilespmem:s20+$0x8E00]  }
0x2f: {  	v1 =	vld.idx.msk [tilespmem:v1+s2+$0x0], $0xffff  }
0x30: {  	s18 =	sadd.s32 $0x1, s18  }
0x31: {  	p0 =	sne.s32 s18, $0x28  }
.Ltmp2:
0x32: {  	_ = 	snop;
	(pc) =	sbr.rel @p0 .LBB2_4-.Ltmp2, $3  }
0x33: {  	_ = 	snop  }
0x34: {  	v1 =	vmul.f32 v1, v3;
	_ =	sdelay $0x1  }
0x35: {  	[tilespmem:v2+s15+$0x0] =	vst.idx.add.f32.msk $0xffff, v1  }
0x36: {  	s16 =	sadd.s32 $0x1, s16  }
0x37: {  	p0 =	sne.s32 s16, s8  }
.Ltmp3:
0x38: {  	_ = 	snop;
	(pc) =	sbr.rel @p0 .LBB2_1-.Ltmp3, $4  }
0x39: {  	[hbm4b:s7+s9] =	stream.strided.scatter [tilespmem:s15], [sflag:$0x1], $0x2780, s10, s9, $0x38;
	[tilespmem:$0xAD80] =	vst v63  }
0x3a: {  	_ =	swait.ge [sflag:s11], $0x2780  }
0x3b: {  	[sflag:s11] =	ssyncset.done $0x0  }
0x3c: {  	[sflag:s11] =	ssyncadd.s32 $0xFFFFD880  }
0x3d: {  	_ =	sfence.sel $0x180000  }
0x3e: {  	[bflag:$0x0] =	sbarrier.arrive $0xFFFF  }
0x3f: {  	p0 =	sne.s32 s1, $0x0;
	_ =	strace $0x90000050  }
0x40: {  	s0 =	sadd.s32 @!p0 $0x100000, s0;
	[bflag:$0x2] =	sbarrier.arrive $0xFFFF  }
0x41: {  	[sflag:s0] =	ssyncadd.tile.s32 @!p0 $0x1;
	_ =	shalt  }
.Lfunc_end2:
_tile_overlayer_lowered:
.L_overlay_start_2:
0x42: {  	(tag) =	ssettag $0x2  }
0x43: {  	s0 =	rddreg [dreg:$0x0];
	s2 =	stileid.u32  }
0x44: {  	s1 =	rddreg [dreg:$0x1];
	p0 =	sne.s32 s2, $0x0  }
0x45: {  	s3 =	rddreg [dreg:$0x2];
	[bflag:$0x3] =	sbarrier.arrive $0xFFFF;
	s2 =	simm.s32 @!p0 $0x1C01  }
0x46: {  	[timem:s3], [sflag:s2] =	dma.local @!p0 [hbm:s0], s1  }
0x47: {  	s0 =	simm.s32 @!p0 $0x1  }
0x48: {  	_ =	swait.ge @!p0 [sflag:s0], s1  }
0x49: {  	s1 =	ssub.s32 @!p0 $0x0, s1;
	[sflag:s0] =	ssyncset.done @!p0 $0x0  }
0x4a: {  	[sflag:s0] =	ssyncadd.s32 @!p0 s1  }
0x4b: {  	[bflag:$0x3] =	sbarrier.arrive $0xFFFF  }
0x4c: {  	_ =	shalt  }

// kernel: kernel.25.cloned.1.call-start
scs
__scs_entry_jumppad:
0x0: {  	(pc) =	sbr.rel $0x88, $3  }
0x1: {  	(tag) =	ssettag $0x0;
	lr =	simm.s32 $0x1  }
0x2: {  	[smem:$0x3F88] =	sst lr;
	_ =	strace $0xD0000000  }
0x3: {  	_ = 	snop  }
0x4: {  	_ = 	snop  }
0x5: {  	_ = 	snop  }
0x6: {  	_ = 	snop  }
0x7: {  	_ = 	snop  }
__scs_overlays_trampoline_lowered:
0x8: {  	[smem:$0x3F97] =	sst s0  }
0x9: {  	[smem:$0x3F98] =	sst s1  }
0xa: {  	[smem:$0x3F99] =	sst s2  }
0xb: {  	[smem:$0x3F9A] =	sst s3  }
0xc: {  	[smem:$0x3F9B] =	sst s4  }
0xd: {  	[smem:$0x3F9C] =	sst s5  }
0xe: {  	[smem:$0x3F9D] =	sst s6  }
0xf: {  	[smem:$0x3F9E] =	sst s7  }
0x10: {  	[smem:$0x3F9F] =	sst s8  }
0x11: {  	[smem:$0x3FA0] =	sst s9;
	s0 =	simm.s32 @!p0 $0x0  }
0x12: {  	s1 =	sld [smem:$0x3F86];
	s0 =	simm.s32 @p0 $0x1  }
0x13: {  	[smem:$0x3FA1] =	sst s0;
	s0 =	simm.s32 @!p1 $0x0  }
0x14: {  	s2 =	sld [smem:$0x3F85];
	s0 =	simm.s32 @p1 $0x1  }
0x15: {  	[smem:$0x3FA2] =	sst s0;
	s0 =	simm.s32 @!p2 $0x0  }
0x16: {  	s3 =	sld [smem:$0x3FDB];
	s0 =	simm.s32 @p2 $0x1  }
0x17: {  	s4 =	simm.s32 $0x1BF5;
	[smem:$0x3FA4] =	sst s0  }
0x18: {  	s0 =	sld [smem:$0x3F87];
	_ =	swait.ge [sflag:s4], $0x0  }
0x19: {  	s7 =	sld [smem:$0x3F88]  }
0x1a: {  	s8 =	sadd.s32 $0xFFFFE003, lr  }
0x1b: {  	s9 =	sadd.s32 $0xFFFFFEF7, lr;
	s5 =	simm.s32 $0xFFFFFFFF;
	p2 =	slt.u32 s8, $0xFFFFF086  }
0x1c: {  	p1 =	slt.u32 s9, $0xF7A;
	s5 =	simm.s32 @!p2 $0x0  }
0x1d: {  	s5 =	simm.s32 @p1 $0x1;
	p0 =	seq.s32 s7, s2  }
0x1e: {  	s7 =	smul.u32 @!p0 $0xF7A, s2;
	p2 =	seq.s32 @!p0 s5, $0x0  }
0x1f: {  	s9 =	smul.u32 $0xF7A, s1;
	s8 =	simm.s32 @!p0 $0x1BF5;
	p2 =	por !p2, p0  }
0x20: {  	[sflag:s8] =	ssyncset.s32 @!p0 $0xFFFFF086;
	s6 =	sadd.s32 @!p0 s3, s7;
	s7 =	simm.s32 @!p0 $0x108  }
0x21: {  	s3 =	sadd.s32 s3, s9;
	s6 =	sadd.s32 @!p0 $0x88, s6;
	s7 =	simm.s32 @p2 $0x1082  }
0x22: {  	[simem:s7], [sflag:s8] =	dma.local @!p0 [hbm:s6], $0xF7A  }
0x23: {  	s9 =	sor.u32 $0xD0000000, s2;
	s6 =	simm.s32 $0x108;
	_ =	swait.ge @!p0 [sflag:s8], $0x0  }
0x24: {  	s3 =	sadd.s32 $0x88, s3;
	s6 =	simm.s32 @!p1 $0x1082;
	[sflag:s4] =	ssyncset.s32 $0xFFFFF086  }
0x25: {  	[simem:s6], [sflag:s4] =	dma.local [hbm:s3], $0xF7A  }
0x26: {  	[smem:$0x3F88] =	sst s1;
	(tag) =	ssettag s2;
	_ =	strace s9  }
0x27: {  	s1 =	sld [smem:$0x3F98]  }
0x28: {  	s2 =	sld [smem:$0x3F99]  }
0x29: {  	s4 =	sld [smem:$0x3F9B]  }
0x2a: {  	p0 =	seq.s32 s5, $0x0;
	s5 =	sld [smem:$0x3F9C]  }
0x2b: {  	s6 =	sld [smem:$0x3F9D]  }
0x2c: {  	s7 =	sld [smem:$0x3F9E]  }
0x2d: {  	s3 =	simm.s32 $0x108;
	s8 =	sld [smem:$0x3F9F]  }
0x2e: {  	s3 =	simm.s32 @!p0 $0x1082;
	s9 =	sld [smem:$0x3FA0]  }
0x2f: {  	lr =	sadd.s32 s0, s3;
	s0 =	sld [smem:$0x3F97]  }
0x30: {  	s3 =	sld [smem:$0x3F9A]  }
0x31: {  	[smem:$0x3FA3] =	sst s10  }
0x32: {  	s10 =	sld [smem:$0x3FA1];
	_ =	sdelay $0x3  }
0x33: {  	p0 =	seq.s32 s10, $0x1;
	s10 =	sld [smem:$0x3FA3];
	_ =	sdelay $0x3  }
0x34: {  	[smem:$0x3FA3] =	sst s10  }
0x35: {  	s10 =	sld [smem:$0x3FA2];
	_ =	sdelay $0x3  }
0x36: {  	p1 =	seq.s32 s10, $0x1;
	s10 =	sld [smem:$0x3FA3];
	_ =	sdelay $0x3  }
0x37: {  	[smem:$0x3FA3] =	sst s10  }
0x38: {  	s10 =	sld [smem:$0x3FA4]  }
0x39: {  	_ = 	snop;
	(pc) =	sbr.ind lr, $3  }
0x3a: {  	_ = 	snop  }
0x3b: {  	_ = 	snop  }
0x3c: {  	p2 =	seq.s32 s10, $0x1;
	s10 =	sld [smem:$0x3FA3]  }
0x3d: {  	_ =	shalt  }
0x3e: {  	_ =	shalt  }
0x3f: {  	_ =	shalt  }
0x40: {  	_ =	shalt  }
0x41: {  	_ =	shalt  }
0x42: {  	_ =	shalt  }
0x43: {  	_ =	shalt  }
0x44: {  	_ =	shalt  }
0x45: {  	_ =	shalt  }
0x46: {  	_ =	shalt  }
0x47: {  	_ =	shalt  }
0x48: {  	_ =	shalt  }
0x49: {  	_ =	shalt  }
0x4a: {  	_ =	shalt  }
0x4b: {  	_ =	shalt  }
0x4c: {  	_ =	shalt  }
0x4d: {  	_ =	shalt  }
0x4e: {  	_ =	shalt  }
0x4f: {  	_ =	shalt  }
0x50: {  	_ =	shalt  }
0x51: {  	_ =	shalt  }
0x52: {  	_ =	shalt  }
0x53: {  	_ =	shalt  }
0x54: {  	_ =	shalt  }
0x55: {  	_ =	shalt  }
0x56: {  	_ =	shalt  }
0x57: {  	_ =	shalt  }
0x58: {  	_ =	shalt  }
0x59: {  	_ =	shalt  }
0x5a: {  	_ =	shalt  }
0x5b: {  	_ =	shalt  }
0x5c: {  	_ =	shalt  }
0x5d: {  	_ =	shalt  }
0x5e: {  	_ =	shalt  }
0x5f: {  	_ =	shalt  }
0x60: {  	_ =	shalt  }
0x61: {  	_ =	shalt  }
0x62: {  	_ =	shalt  }
0x63: {  	_ =	shalt  }
0x64: {  	_ =	shalt  }
0x65: {  	_ =	shalt  }
0x66: {  	_ =	shalt  }
0x67: {  	_ =	shalt  }
0x68: {  	_ =	shalt  }
0x69: {  	_ =	shalt  }
0x6a: {  	_ =	shalt  }
0x6b: {  	_ =	shalt  }
0x6c: {  	_ =	shalt  }
0x6d: {  	_ =	shalt  }
0x6e: {  	_ =	shalt  }
0x6f: {  	_ =	shalt  }
0x70: {  	_ =	shalt  }
0x71: {  	_ =	shalt  }
0x72: {  	_ =	shalt  }
0x73: {  	_ =	shalt  }
0x74: {  	_ =	shalt  }
0x75: {  	_ =	shalt  }
0x76: {  	_ =	shalt  }
0x77: {  	_ =	shalt  }
0x78: {  	_ =	shalt  }
0x79: {  	_ =	shalt  }
0x7a: {  	_ =	shalt  }
0x7b: {  	_ =	shalt  }
0x7c: {  	_ =	shalt  }
0x7d: {  	_ =	shalt  }
0x7e: {  	_ =	shalt  }
0x7f: {  	_ =	shalt  }
0x80: {  	_ =	shalt  }
0x81: {  	_ =	shalt  }
0x82: {  	_ =	shalt  }
0x83: {  	_ =	shalt  }
0x84: {  	_ =	shalt  }
0x85: {  	_ =	shalt  }
0x86: {  	_ =	shalt  }
0x87: {  	_ =	shalt  }
.Lfunc_end0:
.L_simem_size_0:
called_computation.4_lowered:
.L_overlay_start_0:
0x88: {  	s2 =	sld [smem:$0x3FD9]  }
0x89: {  	s3 =	sld [smem:$0x3FFE];
	_ =	sdelay $0x1  }
0x8a: {  	s1 =	srdreg.scid  }
0x8b: {  	s0 =	sand.u32 $0x1, s1  }
0x8c: {  	s16 =	sshll.u32 s0, $0xA;
	s2 =	sadd.s32 s3, s2  }
0x8d: {  	s2 =	sadd.s32 s2, s16  }
0x8e: {  	[smem:$0x3FAF] =	sst s2  }
0x8f: {  	_ = 	snop  }
0x90: {  	(tm) =	ssettm $0x1  }
0x91: {  	s17 =	sld [smem:$0x3FFB];
	_ =	sdelay $0x3  }
0x92: {  	_ =	strace s17  }
0x93: {  	s2 =	sld [smem:$0x3FFC];
	_ =	sdelay $0x3  }
0x94: {  	_ =	strace s2  }
0x95: {  	s2 =	sld [smem:$0x3FFD];
	_ =	sdelay $0x3  }
0x96: {  	_ =	strace s2  }
0x97: {  	_ =	strace $0x8FFFFFFF  }
0x98: {  	s18 =	sld [smem:$0x3FDB];
	_ =	sdelay $0x1  }
0x99: {  	s19 =	simm.s32 $_scs_section_size  }
0x9a: {  	s4 =	simm.s32 $_size__tile_overlayer_lowered;
	s5 =	simm.s32 $_tile_overlayer_lowered  }
0x9b: {  	s22 =	simm.s32 $0x1BFF;
	s21 =	sshll.u32 s5, $0x1;
	s2 =	sadd.s32 s19, s18  }
0x9c: {  	s6 =	simm.s32 $0x0;
	s20 =	sshll.u32 s4, $0x1;
	s4 =	sadd.s32 s21, s2  }
0x9d: {  	[timem:s6], [sflag:s22] =	dma.local [hbm:s4], s20  }
0x9e: {  	_ =	swait.ge [sflag:s22], s20  }
0x9f: {  	s3 =	ssub.s32 $0x0, s20;
	[sflag:s22] =	ssyncset.done $0x0  }
0xa0: {  	[sflag:s22] =	ssyncadd.s32 s3;
	_ =	sdelay $0x1  }
0xa1: {  	s23 =	simm.s32 $0x1B8B  }
0xa2: {  	_ =	swait.ge [sflag:s23], $0x1  }
0xa3: {  	[sflag:s23] =	ssyncset.done $0x0  }
0xa4: {  	s25 =	simm.s32 $0x1B8E;
	s24 =	sld [smem:$0x3FFE];
	[sflag:s23] =	ssyncadd.s32 $0xFFFFFFFF  }
0xa5: {  	s26 =	simm.s32 $execute0_lowered;
	[smem:$0x3FD2] =	sst s25  }
0xa6: {  	s4 =	sshll.u32 s26, $0x1;
	_ =	strace $0x80000052;
	[dreg:$0x1] =	wrdreg $0xFFFFFFFF  }
0xa7: {  	s28 =	simm.s32 $_size_execute0_lowered;
	s2 =	sadd.s32 s2, s4;
	[dreg:$0x0] =	wrdreg $0x0  }
0xa8: {  	s4 =	sshll.u32 s28, $0x1;
	[dreg:$0x2] =	wrdreg s2  }
0xa9: {  	[dreg:$0x3] =	wrdreg s4  }
0xaa: {  	[dreg:$0x4] =	wrdreg $0xC0  }
0xab: {  	_ =	task [dreg:s6], $0x5FFFF  }
0xac: {  	[dreg:$0x1] =	wrdreg $0xFFFFFFFF  }
0xad: {  	[dreg:$0x0] =	wrdreg $0x60  }
0xae: {  	[dreg:$0x2] =	wrdreg s24  }
0xaf: {  	[dreg:$0x3] =	wrdreg $0x9  }
0xb0: {  	_ =	task.clear_ibuf [dreg:s6], $0x4FFFF;
	_ =	strace $0x90000052  }
0xb1: {  	s29 =	simm.s32 $0x9;
	_ =	strace $0x80000054  }
0xb2: {  	_ =	swait.ge [sflag:s29], $0x1  }
0xb3: {  	[sflag:s29] =	ssyncadd.s32 $0xFFFFFFFF  }
0xb4: {  	_ =	strace $0x90000054  }
0xb5: {  	_ =	sfence  }
0xb6: {  	s30 =	sld [smem:$0x0];
	_ =	sdelay $0x2  }
0xb7: {  	s31 =	sshll.u32 s1, $0xD;
	s1 =	sshrl.u32 s1, $0x2  }
0xb8: {  	s3 =	sand.u32 $0x4000, s31;
	s1 =	sadd.s32 s1, s30  }
0xb9: {  	s0 =	sor.u32 s3, s0;
	s1 =	sshll.u32 s1, $0x11  }
0xba: {  	s0 =	sor.u32 s1, s0  }
0xbb: {  	s0 =	sadd.s32 $0x8F2B, s0  }
0xbc: {  	[sflag:s0] =	ssyncadd.remote.s32 $0x1  }
0xbd: {  	_ =	sfence.sel $0xFFFF  }
0xbe: {  	[dreg:$0x0] =	wrdreg $0xFFFFFFFF;
	(pc) =	sbr.abs _section_cstart, $3  }
0xbf: {  	[dreg:$0x1] =	wrdreg $0xFFFFFFFF  }
0xc0: {  	_ =	task.clear_ibuf [dreg:s6], $0x2FFFF;
	_ =	strace $0x9FFFFFFF  }
0xc1: {  	(tm) =	ssettm $0x7FFFFFFF  }
tec
execute0_lowered:
.L_overlay_start_1:
0x0: {  	(tag) =	ssettag $0x1  }
0x1: {  	s6 =	rddreg [dreg:$0x0]  }
0x2: {  	s0 =	rddreg [dreg:$0x1];
	s2 =	simm.s32 $0x0;
	s3 =	srdreg.scid  }
0x3: {  	s1 =	stileid.u32;
	s9 =	simm.s32 $0x80;
	s10 =	simm.s32 $0x400  }
0x4: {  	s11 =	simm.s32 $0x1;
	s12 =	simm.s32 $0x4F00;
	s13 =	simm.s32 $0x6E80  }
0x5: {  	s14 =	simm.s32 $0x8E00;
	s15 =	simm.s32 $0x2780;
	s16 =	simm.s32 $0x0  }
0x6: {  	s5 =	sand.u32 $0x1, s3;
	s29 =	sshrl.u32 s1, $0x2;
	s4 =	sshll.u32 s1, $0x8  }
0x7: {  	s7 =	smul.u32 $0x13C00, s29;
	s30 =	sshll.u32 s5, $0x7;
	s4 =	sand.u32 $0x300, s4  }
0x8: {  	[smem:$0x7FF] =	sst s2;
	s3 =	sadd.s32 $0x5200, s6;
	s4 =	sor.u32 s30, s4  }
0x9: {  	_ =	strace $0x80000053;
	s8 =	ssub.s32 $0x2, s5;
	s7 =	sor.u32 s7, s4  }
0xa: {  	s5 =	sadd.s32 $0x22C00, s6;
	s31 =	sshrl.u32 s8, $0x1;
	s7 =	sshrl.u32 s7, $0x3  }
0xb: {  	s4 =	sadd.s32 $0xF000, s6;
	s8 =	ssub.s32 s8, s31;
	s7 =	sadd.s32 s7, s6  }
0xc: {  	v0 =	vimm.f32 $0.0e+00;
	s8 =	smax.u32 s8, $0x1;
	s6 =	sadd.s32 $0x18E00, s7;
	s7 =	sadd.s32 $0x2CA00, s7  }
.LBB2_1:
0xd: {  	[tilespmem:s2], [sflag:$0x1] =	stream.strided.gather [hbm4b:s6+s9], $0x2780, s10, s9, $0x38;
	[tilespmem:$0xAD80] =	vst v63  }
0xe: {  	_ =	swait.ge [sflag:s11], $0x2780  }
0xf: {  	[sflag:s11] =	ssyncset.done $0x0  }
0x10: {  	s17 =	simm.s32 $0x40;
	s18 =	simm.s32 $0x0;
	[sflag:s11] =	ssyncadd.s32 $0xFFFFD880  }
.LBB2_2:
0x11: {  	p0 =	sne.s32 s17, $0x9C00;
	[tilespmem:s18+$0x2780] =	vst v0;
	s18 =	smov.u32 s17;
	s17 =	sadd.s32 $0x40, s17  }
.Ltmp0:
0x12: {  	(pc) =	sbr.rel @p0 .LBB2_2-.Ltmp0, $2  }
0x13: {  	_ =	sdelay $0x2  }
0x14: {  	s18 =	sshra.s32 s18, $0x2  }
0x15: {  	[tilespmem:s18+$0x2780] =	vst v0;
	s17 =	simm.s32 $0x0;
	s18 =	simm.s32 $0x0  }
.LBB2_4:
0x16: {  	s19 =	smul.u32 $0x3E8, s18;
	_ =	sdelay $0x1  }
0x17: {  	s20 =	sadd.s32 s3, s19  }
0x18: {  	[tilespmem:s12], [sflag:$0x1] =	stream.linear.gather [hbm4b:s20+s17], $0x1F40, $0x38;
	[tilespmem:$0xAD80] =	vst v63  }
0x19: {  	_ =	swait.ge [sflag:s11], $0x1F40  }
0x1a: {  	[sflag:s11] =	ssyncset.done $0x0  }
0x1b: {  	s31 =	sadd.s32 s4, s19;
	[sflag:s11] =	ssyncadd.s32 $0xFFFFE0C0  }
0x1c: {  	[tilespmem:s13], [sflag:$0x1] =	stream.linear.gather [hbm4b:s31+s17], $0x1F40, $0x38;
	[tilespmem:$0xAD80] =	vst v63  }
0x1d: {  	_ =	swait.ge [sflag:s11], $0x1F40  }
0x1e: {  	[sflag:s11] =	ssyncset.done $0x0  }
0x1f: {  	s19 =	sadd.s32 s5, s19;
	[sflag:s11] =	ssyncadd.s32 $0xFFFFE0C0  }
0x20: {  	[tilespmem:s14], [sflag:$0x1] =	stream.linear.gather [hbm4b:s19+s17], $0x1F40, $0x38;
	[tilespmem:$0xAD80] =	vst v63  }
0x21: {  	_ =	swait.ge [sflag:s11], $0x1F40  }
0x22: {  	[sflag:s11] =	ssyncset.done $0x0  }
0x23: {  	s20 =	simm.s32 $0x0;
	s19 =	simm.s32 $0x40;
	[sflag:s11] =	ssyncadd.s32 $0xFFFFE0C0  }
.LBB2_5:
0x24: {  	p0 =	sne.s32 s19, $0x7CC0;
	v1 =	vld [tilespmem:s20+$0x4F00];
	_ =	sdelay $0x6  }
0x25: {  	v2 =	vld [tilespmem:s20+$0x6E80]  }
0x26: {  	v1 =	vld.idx.msk [tilespmem:v1+s2+$0x0], $0xffff  }
0x27: {  	v3 =	vld [tilespmem:s20+$0x8E00];
	_ =	sdelay $0x2  }
.Ltmp1:
0x28: {  	(pc) =	sbr.rel @p0 .LBB2_5-.Ltmp1, $3  }
0x29: {  	_ = 	snop  }
0x2a: {  	v1 =	vmul.f32 v1, v3;
	_ =	sdelay $0x1  }
0x2b: {  	s20 =	sshra.s32 s19, $0x2;
	s19 =	sadd.s32 $0x40, s19;
	[tilespmem:v2+s15+$0x0] =	vst.idx.add.f32.msk $0xffff, v1  }
0x2c: {  	v1 =	vld [tilespmem:s20+$0x4F00];
	_ =	sdelay $0x5  }
0x2d: {  	v2 =	vld [tilespmem:s20+$0x6E80]  }
0x2e: {  	v3 =	vld [tilespmem:s20+$0x8E00]  }
0x2f: {  	v1 =	vld.idx.msk [tilespmem:v1+s2+$0x0], $0xffff  }
0x30: {  	s18 =	sadd.s32 $0x1, s18  }
0x31: {  	p0 =	sne.s32 s18, $0x28  }
.Ltmp2:
0x32: {  	_ = 	snop;
	(pc) =	sbr.rel @p0 .LBB2_4-.Ltmp2, $3  }
0x33: {  	_ = 	snop  }
0x34: {  	v1 =	vmul.f32 v1, v3;
	_ =	sdelay $0x1  }
0x35: {  	[tilespmem:v2+s15+$0x0] =	vst.idx.add.f32.msk $0xffff, v1  }
0x36: {  	s16 =	sadd.s32 $0x1, s16  }
0x37: {  	p0 =	sne.s32 s16, s8  }
.Ltmp3:
0x38: {  	_ = 	snop;
	(pc) =	sbr.rel @p0 .LBB2_1-.Ltmp3, $4  }
0x39: {  	[hbm4b:s7+s9] =	stream.strided.scatter [tilespmem:s15], [sflag:$0x1], $0x2780, s10, s9, $0x38;
	[tilespmem:$0xAD80] =	vst v63  }
0x3a: {  	_ =	swait.ge [sflag:s11], $0x2780  }
0x3b: {  	[sflag:s11] =	ssyncset.done $0x0  }
0x3c: {  	[sflag:s11] =	ssyncadd.s32 $0xFFFFD880  }
0x3d: {  	_ =	sfence.sel $0x180000  }
0x3e: {  	[bflag:$0x0] =	sbarrier.arrive $0xFFFF  }
0x3f: {  	p0 =	sne.s32 s1, $0x0;
	_ =	strace $0x90000053  }
0x40: {  	s0 =	sadd.s32 @!p0 $0x100000, s0;
	[bflag:$0x2] =	sbarrier.arrive $0xFFFF  }
0x41: {  	[sflag:s0] =	ssyncadd.tile.s32 @!p0 $0x1;
	_ =	shalt  }
.Lfunc_end2:
_tile_overlayer_lowered:
.L_overlay_start_2:
0x42: {  	(tag) =	ssettag $0x2  }
0x43: {  	s0 =	rddreg [dreg:$0x0];
	s2 =	stileid.u32  }
0x44: {  	s1 =	rddreg [dreg:$0x1];
	p0 =	sne.s32 s2, $0x0  }
0x45: {  	s3 =	rddreg [dreg:$0x2];
	[bflag:$0x3] =	sbarrier.arrive $0xFFFF;
	s2 =	simm.s32 @!p0 $0x1C01  }
0x46: {  	[timem:s3], [sflag:s2] =	dma.local @!p0 [hbm:s0], s1  }
0x47: {  	s0 =	simm.s32 @!p0 $0x1  }
0x48: {  	_ =	swait.ge @!p0 [sflag:s0], s1  }
0x49: {  	s1 =	ssub.s32 @!p0 $0x0, s1;
	[sflag:s0] =	ssyncset.done @!p0 $0x0  }
0x4a: {  	[sflag:s0] =	ssyncadd.s32 @!p0 s1  }
0x4b: {  	[bflag:$0x3] =	sbarrier.arrive $0xFFFF  }
0x4c: {  	_ =	shalt  }

</sc_bundles>
